<compile_context>
chip_gen: v7x
topology: tpu7x:2x2x1
jax: 0.10.2.dev20260603
libtpu: 0.0.44.dev20260713+nightly
codegen_flags: <defaults>
</compile_context>

<pallas_src>
import functools

import numpy as np
import jax
import jax.numpy as jnp
from jax import lax
from jax.experimental import pallas as pl
from jax.experimental.pallas import tpu as pltpu
from jax.experimental.pallas import tpu_sc as plsc

T, D, E, K, F = 2048, 1024, 8, 2, 512
BT = 256
PT = T * K + E * BT
NB = PT // BT
NMETA = 64
BTC = 256
NC, NS = 2, 16
NW = NC * NS
CHUNK = T // NW

TCH = 128
_MTRI_NP = np.triu(np.ones((TCH, TCH), np.float32), 1)


def _router_body(x_ref, Wr_ref, mtri_ref, slots_ref, meta_ref, loss_ref):
    x = x_ref[...]
    logits_t = lax.dot_general(Wr_ref[...], x, (((0,), (1,)), ((), ())),
                               preferred_element_type=jnp.float32)
    m = jnp.max(logits_t, axis=0, keepdims=True)
    ex = jnp.exp(logits_t - m)
    p = ex / jnp.sum(ex, axis=0, keepdims=True)
    eio = lax.broadcasted_iota(jnp.int32, (E, T), 0)
    m1 = jnp.max(p, axis=0, keepdims=True)
    i1 = jnp.min(jnp.where(p == m1, eio, E), axis=0, keepdims=True)
    pm = jnp.where(eio == i1, -jnp.inf, p)
    m2 = jnp.max(pm, axis=0, keepdims=True)
    i2 = jnp.min(jnp.where(pm == m2, eio, E), axis=0, keepdims=True)
    sel = ((eio == i1) | (eio == i2)).astype(jnp.bfloat16)

    mtri = mtri_ref[...]
    parts = []
    carry = jnp.zeros((E, 1), jnp.float32)
    for c in range(T // TCH):
        chunk = sel[:, c * TCH:(c + 1) * TCH]
        within = lax.dot_general(chunk, mtri, (((1,), (0,)), ((), ())),
                                 preferred_element_type=jnp.float32)
        parts.append(within + carry)
        carry = carry + jnp.sum(chunk.astype(jnp.float32), axis=1,
                                keepdims=True)
    rank = jnp.concatenate(parts, axis=1)

    counts = jnp.sum(sel.astype(jnp.float32), axis=1, keepdims=True)
    padded = jnp.ceil(counts / BT) * BT
    eio_r = lax.broadcasted_iota(jnp.int32, (E, E), 0)
    eio_c = lax.broadcasted_iota(jnp.int32, (E, E), 1)
    metri = (eio_c < eio_r).astype(jnp.float32)
    starts = lax.dot_general(metri, padded, (((1,), (0,)), ((), ())),
                             preferred_element_type=jnp.float32)
    slotmat = starts + rank
    slot0 = jnp.sum(jnp.where(eio == i1, slotmat, 0.0), axis=0, keepdims=True)
    slot1 = jnp.sum(jnp.where(eio == i2, slotmat, 0.0), axis=0, keepdims=True)
    slots_ref[...] = jnp.concatenate([slot0, slot1], axis=0).astype(jnp.int32)

    ends = starts + padded
    bio = lax.broadcasted_iota(jnp.int32, (1, NMETA), 1).astype(jnp.float32) * BT
    bexp = jnp.sum((bio >= ends).astype(jnp.int32), axis=0, keepdims=True)
    bexp = jnp.minimum(bexp, E - 1)
    total = jnp.sum(padded, axis=0, keepdims=True)
    bvalid = (bio < total).astype(jnp.int32)
    meta_ref[...] = jnp.concatenate([bexp, bvalid], axis=0)

    psum = jnp.sum(p, axis=1, keepdims=True)
    loss = E * jnp.sum((counts / (T * K)) * (psum / T), keepdims=True)
    loss_ref[...] = loss


def _router(x, Wr, mtri):
    return pl.pallas_call(
        _router_body,
        in_specs=[
            pl.BlockSpec((T, D), lambda: (0, 0)),
            pl.BlockSpec((D, E), lambda: (0, 0)),
            pl.BlockSpec((TCH, TCH), lambda: (0, 0)),
        ],
        out_specs=[
            pl.BlockSpec((2, T), lambda: (0, 0)),
            pl.BlockSpec((2, NMETA), lambda: (0, 0)),
            pl.BlockSpec((1, 1), lambda: (0, 0)),
        ],
        out_shape=[
            jax.ShapeDtypeStruct((2, T), jnp.int32),
            jax.ShapeDtypeStruct((2, NMETA), jnp.int32),
            jax.ShapeDtypeStruct((1, 1), jnp.float32),
        ],
    )(x, Wr, mtri)


_sc_mesh = plsc.VectorSubcoreMesh(core_axis_name="c", subcore_axis_name="s",
                                  num_cores=NC, num_subcores=NS)


@functools.partial(
    pl.kernel,
    out_type=jax.ShapeDtypeStruct((PT, D), jnp.float32),
    mesh=_sc_mesh,
    scratch_types=[
        pltpu.VMEM((CHUNK,), jnp.int32),
        pltpu.VMEM((CHUNK,), jnp.int32),
        pltpu.VMEM((CHUNK, D), jnp.float32),
        pltpu.SemaphoreType.DMA,
        pltpu.SemaphoreType.DMA,
    ],
)
def _dispatch(x_hbm, slots_hbm, xs_hbm, idx0_v, idx1_v, rows_v, sem0, sem1):
    wid = lax.axis_index("s") * NC + lax.axis_index("c")
    base = wid * CHUNK
    a0 = pltpu.async_copy(slots_hbm.at[0, pl.ds(base, CHUNK)], idx0_v, sem0)
    a1 = pltpu.async_copy(slots_hbm.at[1, pl.ds(base, CHUNK)], idx1_v, sem1)
    pltpu.sync_copy(x_hbm.at[pl.ds(base, CHUNK)], rows_v)
    a0.wait()
    a1.wait()
    c0 = pltpu.async_copy(rows_v, xs_hbm.at[idx0_v], sem0)
    c1 = pltpu.async_copy(rows_v, xs_hbm.at[idx1_v], sem1)
    c0.wait()
    c1.wait()


def _gmm_body(meta_ref, xs_ref, W0_ref, W1_ref, Wo_ref, ys_ref):
    b = pl.program_id(0)

    @pl.when(meta_ref[1, b] == 1)
    def _():
        xb = xs_ref[...]
        h0 = jnp.dot(xb, W0_ref[0], preferred_element_type=jnp.float32)
        h1 = jnp.dot(xb, W1_ref[0], preferred_element_type=jnp.float32)
        h = jax.nn.silu(h0) * h1
        ys_ref[...] = jnp.dot(h, Wo_ref[0], preferred_element_type=jnp.float32)


def _gmm(meta, xs, W0, W1, Wo):
    grid_spec = pltpu.PrefetchScalarGridSpec(
        num_scalar_prefetch=1,
        grid=(NB,),
        in_specs=[
            pl.BlockSpec((BT, D), lambda b, meta: (b, 0)),
            pl.BlockSpec((1, D, F), lambda b, meta: (meta[0, b], 0, 0)),
            pl.BlockSpec((1, D, F), lambda b, meta: (meta[0, b], 0, 0)),
            pl.BlockSpec((1, F, D), lambda b, meta: (meta[0, b], 0, 0)),
        ],
        out_specs=pl.BlockSpec((BT, D), lambda b, meta: (b, 0)),
    )
    return pl.pallas_call(
        _gmm_body,
        grid_spec=grid_spec,
        out_shape=jax.ShapeDtypeStruct((PT, D), jnp.float32),
        compiler_params=pltpu.CompilerParams(
            dimension_semantics=("arbitrary",),
        ),
    )(meta, xs, W0, W1, Wo)


@functools.partial(
    pl.kernel,
    out_type=[
        jax.ShapeDtypeStruct((T, D), jnp.float32),
        jax.ShapeDtypeStruct((T, D), jnp.float32),
    ],
    mesh=_sc_mesh,
    scratch_types=[
        pltpu.VMEM((CHUNK,), jnp.int32),
        pltpu.VMEM((CHUNK,), jnp.int32),
        pltpu.VMEM((CHUNK, D), jnp.float32),
        pltpu.SemaphoreType.DMA,
        pltpu.SemaphoreType.DMA,
    ],
)
def _undispatch(ys_hbm, slots_hbm, op0_hbm, op1_hbm, idx0_v, idx1_v,
                rows_v, sem, sem2):
    wid = lax.axis_index("s") * NC + lax.axis_index("c")
    base = wid * CHUNK
    a0 = pltpu.async_copy(slots_hbm.at[0, pl.ds(base, CHUNK)], idx0_v, sem)
    a1 = pltpu.async_copy(slots_hbm.at[1, pl.ds(base, CHUNK)], idx1_v, sem2)
    a0.wait()
    a1.wait()
    pltpu.async_copy(ys_hbm.at[idx0_v], rows_v, sem).wait()
    pltpu.sync_copy(rows_v, op0_hbm.at[pl.ds(base, CHUNK)])
    pltpu.async_copy(ys_hbm.at[idx1_v], rows_v, sem).wait()
    pltpu.sync_copy(rows_v, op1_hbm.at[pl.ds(base, CHUNK)])


def _combine_body(x_ref, Wr_ref, op0_ref, op1_ref, Ws0_ref, Ws1_ref,
                  Wso_ref, Wg_ref, out_ref):
    x = x_ref[...]
    logits = jnp.dot(x, Wr_ref[...], preferred_element_type=jnp.float32)
    m = jnp.max(logits, axis=1, keepdims=True)
    ex = jnp.exp(logits - m)
    p = ex / jnp.sum(ex, axis=1, keepdims=True)
    iota = lax.broadcasted_iota(jnp.int32, (BTC, E), 1)
    m1 = jnp.max(p, axis=1, keepdims=True)
    i1 = jnp.min(jnp.where(p == m1, iota, E), axis=1, keepdims=True)
    pm = jnp.where(iota == i1, -jnp.inf, p)
    m2 = jnp.max(pm, axis=1, keepdims=True)
    denom = m1 + m2
    w0 = m1 / denom
    w1 = m2 / denom
    h0s = jnp.dot(x, Ws0_ref[...], preferred_element_type=jnp.float32)
    h1s = jnp.dot(x, Ws1_ref[...], preferred_element_type=jnp.float32)
    sh = jnp.dot(jax.nn.silu(h0s) * h1s, Wso_ref[...],
                 preferred_element_type=jnp.float32)
    g = jax.nn.sigmoid(jnp.dot(x, Wg_ref[...],
                               preferred_element_type=jnp.float32))
    out_ref[...] = w0 * op0_ref[...] + w1 * op1_ref[...] + g * sh


def _combine(x, Wr, op0, op1, Ws0, Ws1, Wso, Wg):
    nblk = T // BTC
    return pl.pallas_call(
        _combine_body,
        grid=(nblk,),
        in_specs=[
            pl.BlockSpec((BTC, D), lambda t: (t, 0)),
            pl.BlockSpec((D, E), lambda t: (0, 0)),
            pl.BlockSpec((BTC, D), lambda t: (t, 0)),
            pl.BlockSpec((BTC, D), lambda t: (t, 0)),
            pl.BlockSpec((D, F), lambda t: (0, 0)),
            pl.BlockSpec((D, F), lambda t: (0, 0)),
            pl.BlockSpec((F, D), lambda t: (0, 0)),
            pl.BlockSpec((D, 1), lambda t: (0, 0)),
        ],
        out_specs=pl.BlockSpec((BTC, D), lambda t: (t, 0)),
        out_shape=jax.ShapeDtypeStruct((T, D), jnp.float32),
    )(x, Wr, op0, op1, Ws0, Ws1, Wso, Wg)


@jax.jit
def _moe(x, Wr, W0, W1, Wo, Ws0, Ws1, Wso, Wg):
    mtri = jnp.asarray(_MTRI_NP, jnp.bfloat16)
    slots, meta, loss = _router(x, Wr, mtri)
    xs = _dispatch(x, slots)
    ys = _gmm(meta, xs, W0, W1, Wo)
    op0, op1 = _undispatch(ys, slots)
    out = _combine(x, Wr, op0, op1, Ws0, Ws1, Wso, Wg)
    return out, loss[0, 0]


def kernel(hidden_states, Wr, W_in0, W_in1, W_out, Ws_in0, Ws_in1, Ws_out,
           Wg, deterministic=True):
    b, s, d = hidden_states.shape
    x = hidden_states.reshape(-1, d)
    out, loss = _moe(x, Wr, W_in0, W_in1, W_out, Ws_in0, Ws_in1, Ws_out, Wg)
    return out.reshape(b, s, d), loss

# --- scband reference (transcript-rebuilt; emitter-appended) ---
"""Pipeline reference for scband-qwen3-next-sparse-moe-block-26886495272971 (READ-ONLY COPY).

The authoritative reference and input builder live on the scoring server;
editing this copy changes nothing except your own understanding.
"""

import jax
import jax.numpy as jnp
import numpy as np

B, S, D = 1, 2048, 1024
E, K, F = 8, 2, 512


def setup_inputs(seed: int = 0) -> dict:
    key = jax.random.key(seed)
    ks = jax.random.split(key, 10)
    s = 0.02
    return {
        "hidden_states": jax.random.normal(ks[0], (B, S, D), dtype=jnp.float32),
        "Wr": jax.random.normal(ks[1], (D, E), dtype=jnp.float32) * s,
        "W_in0": jax.random.normal(ks[2], (E, D, F), dtype=jnp.float32) * s,
        "W_in1": jax.random.normal(ks[3], (E, D, F), dtype=jnp.float32) * s,
        "W_out": jax.random.normal(ks[4], (E, F, D), dtype=jnp.float32) * s,
        "Ws_in0": jax.random.normal(ks[5], (D, F), dtype=jnp.float32) * s,
        "Ws_in1": jax.random.normal(ks[6], (D, F), dtype=jnp.float32) * s,
        "Ws_out": jax.random.normal(ks[7], (F, D), dtype=jnp.float32) * s,
        "Wg": jax.random.normal(ks[8], (D, 1), dtype=jnp.float32) * s,
        "deterministic": True,
    }


def reference(hidden_states, Wr, W_in0, W_in1, W_out, Ws_in0, Ws_in1, Ws_out, Wg, deterministic=True):
    b, s_, d = hidden_states.shape
    x = hidden_states.reshape(-1, d)  # [T, D]
    n_exp = Wr.shape[1]

    # ---- routed experts ----
    router_logits = x @ Wr                                    # [T, E]
    probs = jax.nn.softmax(router_logits.astype(jnp.float32), axis=-1)
    top_w, top_i = jax.lax.top_k(probs, K)                    # [T, K]
    top_w = top_w / jnp.sum(top_w, axis=-1, keepdims=True)    # norm_topk_prob
    # combine weights: zero for non-selected experts (sparse top-k routing)
    combine = jnp.sum(jax.nn.one_hot(top_i, n_exp, dtype=x.dtype) * top_w[..., None], axis=1)  # [T, E]

    h0 = jnp.einsum('td,edf->tef', x, W_in0)                  # [T, E, F]
    h1 = jnp.einsum('td,edf->tef', x, W_in1)
    h = jax.nn.silu(h0) * h1
    expert_out = jnp.einsum('tef,efd->ted', h, W_out)         # [T, E, D]
    routed_output = jnp.einsum('te,ted->td', combine, expert_out)

    # ---- shared expert (gated MLP: silu * linear) ----
    shared = (jax.nn.silu(x @ Ws_in0) * (x @ Ws_in1)) @ Ws_out  # [T, D]

    # ---- shared expert gate ----
    gate = jax.nn.sigmoid(x @ Wg)                             # [T, 1]

    final = routed_output + gate * shared

    # ---- load balancing loss (Switch/Qwen style aux loss) ----
    assign_frac = jnp.mean(jnp.sum(jax.nn.one_hot(top_i, n_exp, dtype=jnp.float32), axis=1) / K, axis=0)  # [E]
    mean_prob = jnp.mean(probs, axis=0)                       # [E]
    load_balance_loss = n_exp * jnp.sum(assign_frac * mean_prob)

    return final.reshape(b, s_, d), load_balance_loss

if __name__ == "__main__":
    import jax
    _d = setup_inputs()
    print(jax.jit(kernel)(*tuple(_d.values())))

</pallas_src>

<mosaic_0001>
#map = affine_map<(d0, d1) -> (0, 0)>
module attributes {stable_mosaic.version = 14 : i64} {
  func.func @_dispatch(%arg0: i32, %arg1: i32, %arg2: memref<2048x1024xf32, #tpu.memory_space<hbm>>, %arg3: memref<2x2048xi32, #tpu.memory_space<hbm>>, %arg4: memref<6144x1024xf32, #tpu.memory_space<hbm>>, %arg5: memref<64xi32, #tpu.memory_space<vmem>>, %arg6: memref<64xi32, #tpu.memory_space<vmem>>, %arg7: memref<64x1024xf32, #tpu.memory_space<vmem>>, %arg8: memref<!tpu.dma_semaphore, #tpu.memory_space<semaphore_mem>>, %arg9: memref<!tpu.dma_semaphore, #tpu.memory_space<semaphore_mem>>) attributes {dimension_semantics = [#tpu.dimension_semantics<core_parallel>, #tpu.dimension_semantics<subcore_parallel>], iteration_bounds = array<i64: 2, 16>, scalar_prefetch = 0 : i64, scratch_operands = 5 : i64, tpu.core_type = #tpu.core_type<sc_vector_subcore>, window_params = [{transform_indices = #map}, {transform_indices = #map}, {transform_indices = #map}]} {
    %mul3A = arith.constant 2 : i32
    %mul3A_0 = arith.muli %arg1, %mul3A : i32
    %add3A = arith.addi %mul3A_0, %arg0 : i32
    %mul3A_1 = arith.constant 64 : i32
    %mul3A_2 = arith.muli %add3A, %mul3A_1 : i32
    %dma_start3A = arith.constant 0 : i32
    %dma_start3A_3 = tpu.memref_slice %arg3[%dma_start3A, %mul3A_2] : memref<2x2048xi32, #tpu.memory_space<hbm>> -> memref<1x64xi32, #tpu.memory_space<hbm>>
    %dma_start3A_4 = tpu.memref_squeeze %dma_start3A_3 : memref<1x64xi32, #tpu.memory_space<hbm>> -> memref<64xi32, #tpu.memory_space<hbm>>
    %dma_start3A_5 = tpu.memref_slice %arg3[%dma_start3A, %mul3A_2] : memref<2x2048xi32, #tpu.memory_space<hbm>> -> memref<1x64xi32, #tpu.memory_space<hbm>>
    %dma_start3A_6 = tpu.memref_squeeze %dma_start3A_5 : memref<1x64xi32, #tpu.memory_space<hbm>> -> memref<64xi32, #tpu.memory_space<hbm>>
    tpu.enqueue_dma source(%dma_start3A_6 : memref<64xi32, #tpu.memory_space<hbm>>) target(%arg5 : memref<64xi32, #tpu.memory_space<vmem>>) target_semaphore(%arg8 : memref<!tpu.dma_semaphore, #tpu.memory_space<semaphore_mem>>)
    %dma_start3A_7 = arith.constant 1 : i32
    %dma_start3A_8 = tpu.memref_slice %arg3[%dma_start3A_7, %mul3A_2] : memref<2x2048xi32, #tpu.memory_space<hbm>> -> memref<1x64xi32, #tpu.memory_space<hbm>>
    %dma_start3A_9 = tpu.memref_squeeze %dma_start3A_8 : memref<1x64xi32, #tpu.memory_space<hbm>> -> memref<64xi32, #tpu.memory_space<hbm>>
    %dma_start3A_10 = tpu.memref_slice %arg3[%dma_start3A_7, %mul3A_2] : memref<2x2048xi32, #tpu.memory_space<hbm>> -> memref<1x64xi32, #tpu.memory_space<hbm>>
    %dma_start3A_11 = tpu.memref_squeeze %dma_start3A_10 : memref<1x64xi32, #tpu.memory_space<hbm>> -> memref<64xi32, #tpu.memory_space<hbm>>
    tpu.enqueue_dma source(%dma_start3A_11 : memref<64xi32, #tpu.memory_space<hbm>>) target(%arg6 : memref<64xi32, #tpu.memory_space<vmem>>) target_semaphore(%arg9 : memref<!tpu.dma_semaphore, #tpu.memory_space<semaphore_mem>>)
    "tpu.region"() ({
      %run_scoped3A = tpu.sem_alloc : memref<!tpu.dma_semaphore, #tpu.memory_space<semaphore_mem>>
      %dma_start3A_33 = arith.constant 0 : i32
      %dma_start3A_34 = tpu.memref_slice %arg2[%mul3A_2, %dma_start3A_33] : memref<2048x1024xf32, #tpu.memory_space<hbm>> -> memref<64x1024xf32, #tpu.memory_space<hbm>>
      %dma_start3A_35 = arith.constant 0 : i32
      %dma_start3A_36 = tpu.memref_slice %arg2[%mul3A_2, %dma_start3A_35] : memref<2048x1024xf32, #tpu.memory_space<hbm>> -> memref<64x1024xf32, #tpu.memory_space<hbm>>
      tpu.enqueue_dma source(%dma_start3A_36 : memref<64x1024xf32, #tpu.memory_space<hbm>>) target(%arg7 : memref<64x1024xf32, #tpu.memory_space<vmem>>) target_semaphore(%run_scoped3A : memref<!tpu.dma_semaphore, #tpu.memory_space<semaphore_mem>>)
      %dma_wait3A_37 = arith.constant 0 : i32
      %dma_wait3A_38 = tpu.memref_slice %arg2[%mul3A_2, %dma_wait3A_37] : memref<2048x1024xf32, #tpu.memory_space<hbm>> -> memref<64x1024xf32, #tpu.memory_space<hbm>>
      %dma_wait3A_39 = arith.constant 0 : i32
      %dma_wait3A_40 = tpu.memref_slice %arg2[%mul3A_2, %dma_wait3A_39] : memref<2048x1024xf32, #tpu.memory_space<hbm>> -> memref<64x1024xf32, #tpu.memory_space<hbm>>
      tpu.wait_dma2 semaphore(%run_scoped3A : memref<!tpu.dma_semaphore, #tpu.memory_space<semaphore_mem>>) src(%dma_wait3A_40 : memref<64x1024xf32, #tpu.memory_space<hbm>>) dst(%arg7 : memref<64x1024xf32, #tpu.memory_space<vmem>>)
      tpu.yield
    }) : () -> ()
    %dma_wait3A = arith.constant 0 : i32
    %dma_wait3A_12 = tpu.memref_slice %arg3[%dma_wait3A, %mul3A_2] : memref<2x2048xi32, #tpu.memory_space<hbm>> -> memref<1x64xi32, #tpu.memory_space<hbm>>
    %dma_wait3A_13 = tpu.memref_squeeze %dma_wait3A_12 : memref<1x64xi32, #tpu.memory_space<hbm>> -> memref<64xi32, #tpu.memory_space<hbm>>
    %dma_wait3A_14 = tpu.memref_slice %arg3[%dma_wait3A, %mul3A_2] : memref<2x2048xi32, #tpu.memory_space<hbm>> -> memref<1x64xi32, #tpu.memory_space<hbm>>
    %dma_wait3A_15 = tpu.memref_squeeze %dma_wait3A_14 : memref<1x64xi32, #tpu.memory_space<hbm>> -> memref<64xi32, #tpu.memory_space<hbm>>
    tpu.wait_dma2 semaphore(%arg8 : memref<!tpu.dma_semaphore, #tpu.memory_space<semaphore_mem>>) src(%dma_wait3A_15 : memref<64xi32, #tpu.memory_space<hbm>>) dst(%arg5 : memref<64xi32, #tpu.memory_space<vmem>>)
    %dma_wait3A_16 = arith.constant 1 : i32
    %dma_wait3A_17 = tpu.memref_slice %arg3[%dma_wait3A_16, %mul3A_2] : memref<2x2048xi32, #tpu.memory_space<hbm>> -> memref<1x64xi32, #tpu.memory_space<hbm>>
    %dma_wait3A_18 = tpu.memref_squeeze %dma_wait3A_17 : memref<1x64xi32, #tpu.memory_space<hbm>> -> memref<64xi32, #tpu.memory_space<hbm>>
    %dma_wait3A_19 = tpu.memref_slice %arg3[%dma_wait3A_16, %mul3A_2] : memref<2x2048xi32, #tpu.memory_space<hbm>> -> memref<1x64xi32, #tpu.memory_space<hbm>>
    %dma_wait3A_20 = tpu.memref_squeeze %dma_wait3A_19 : memref<1x64xi32, #tpu.memory_space<hbm>> -> memref<64xi32, #tpu.memory_space<hbm>>
    tpu.wait_dma2 semaphore(%arg9 : memref<!tpu.dma_semaphore, #tpu.memory_space<semaphore_mem>>) src(%dma_wait3A_20 : memref<64xi32, #tpu.memory_space<hbm>>) dst(%arg6 : memref<64xi32, #tpu.memory_space<vmem>>)
    %dma_start3A_21 = arith.constant 0 : i32
    %dma_start3A_22 = arith.constant 0 : i32
    %dma_start3A_23 = tpu.memref_slice %arg4[%dma_start3A_21, %dma_start3A_22] : memref<6144x1024xf32, #tpu.memory_space<hbm>> -> memref<6144x1024xf32, #tpu.memory_space<hbm>>
    tpu.enqueue_indirect_dma source(%arg7 : memref<64x1024xf32, #tpu.memory_space<vmem>>) target(%dma_start3A_23 : memref<6144x1024xf32, #tpu.memory_space<hbm>>) offsets(%arg5 : memref<64xi32, #tpu.memory_space<vmem>>) semaphore(%arg8 : memref<!tpu.dma_semaphore, #tpu.memory_space<semaphore_mem>>)
    %dma_start3A_24 = arith.constant 0 : i32
    %dma_start3A_25 = arith.constant 0 : i32
    %dma_start3A_26 = tpu.memref_slice %arg4[%dma_start3A_24, %dma_start3A_25] : memref<6144x1024xf32, #tpu.memory_space<hbm>> -> memref<6144x1024xf32, #tpu.memory_space<hbm>>
    tpu.enqueue_indirect_dma source(%arg7 : memref<64x1024xf32, #tpu.memory_space<vmem>>) target(%dma_start3A_26 : memref<6144x1024xf32, #tpu.memory_space<hbm>>) offsets(%arg6 : memref<64xi32, #tpu.memory_space<vmem>>) semaphore(%arg9 : memref<!tpu.dma_semaphore, #tpu.memory_space<semaphore_mem>>)
    %dma_wait3A_27 = arith.constant 0 : i32
    %dma_wait3A_28 = arith.constant 0 : i32
    %dma_wait3A_29 = tpu.memref_slice %arg4[%dma_wait3A_27, %dma_wait3A_28] : memref<6144x1024xf32, #tpu.memory_space<hbm>> -> memref<6144x1024xf32, #tpu.memory_space<hbm>>
    tpu.wait_indirect_dma semaphore(%arg8 : memref<!tpu.dma_semaphore, #tpu.memory_space<semaphore_mem>>) src(%arg7 : memref<64x1024xf32, #tpu.memory_space<vmem>>) dst(%dma_wait3A_29 : memref<6144x1024xf32, #tpu.memory_space<hbm>>)
    %dma_wait3A_30 = arith.constant 0 : i32
    %dma_wait3A_31 = arith.constant 0 : i32
    %dma_wait3A_32 = tpu.memref_slice %arg4[%dma_wait3A_30, %dma_wait3A_31] : memref<6144x1024xf32, #tpu.memory_space<hbm>> -> memref<6144x1024xf32, #tpu.memory_space<hbm>>
    tpu.wait_indirect_dma semaphore(%arg9 : memref<!tpu.dma_semaphore, #tpu.memory_space<semaphore_mem>>) src(%arg7 : memref<64x1024xf32, #tpu.memory_space<vmem>>) dst(%dma_wait3A_32 : memref<6144x1024xf32, #tpu.memory_space<hbm>>)
    return
  }
}

#map = affine_map<(d0, d1) -> (0, 0)>
module attributes {stable_mosaic.version = 14 : i64} {
  func.func @_undispatch(%arg0: i32, %arg1: i32, %arg2: memref<6144x1024xf32, #tpu.memory_space<hbm>>, %arg3: memref<2x2048xi32, #tpu.memory_space<hbm>>, %arg4: memref<2048x1024xf32, #tpu.memory_space<hbm>>, %arg5: memref<2048x1024xf32, #tpu.memory_space<hbm>>, %arg6: memref<64xi32, #tpu.memory_space<vmem>>, %arg7: memref<64xi32, #tpu.memory_space<vmem>>, %arg8: memref<64x1024xf32, #tpu.memory_space<vmem>>, %arg9: memref<!tpu.dma_semaphore, #tpu.memory_space<semaphore_mem>>, %arg10: memref<!tpu.dma_semaphore, #tpu.memory_space<semaphore_mem>>) attributes {dimension_semantics = [#tpu.dimension_semantics<core_parallel>, #tpu.dimension_semantics<subcore_parallel>], iteration_bounds = array<i64: 2, 16>, scalar_prefetch = 0 : i64, scratch_operands = 5 : i64, tpu.core_type = #tpu.core_type<sc_vector_subcore>, window_params = [{transform_indices = #map}, {transform_indices = #map}, {transform_indices = #map}, {transform_indices = #map}]} {
    %mul3A = arith.constant 2 : i32
    %mul3A_0 = arith.muli %arg1, %mul3A : i32
    %add3A = arith.addi %mul3A_0, %arg0 : i32
    %mul3A_1 = arith.constant 64 : i32
    %mul3A_2 = arith.muli %add3A, %mul3A_1 : i32
    %dma_start3A = arith.constant 0 : i32
    %dma_start3A_3 = tpu.memref_slice %arg3[%dma_start3A, %mul3A_2] : memref<2x2048xi32, #tpu.memory_space<hbm>> -> memref<1x64xi32, #tpu.memory_space<hbm>>
    %dma_start3A_4 = tpu.memref_squeeze %dma_start3A_3 : memref<1x64xi32, #tpu.memory_space<hbm>> -> memref<64xi32, #tpu.memory_space<hbm>>
    %dma_start3A_5 = tpu.memref_slice %arg3[%dma_start3A, %mul3A_2] : memref<2x2048xi32, #tpu.memory_space<hbm>> -> memref<1x64xi32, #tpu.memory_space<hbm>>
    %dma_start3A_6 = tpu.memref_squeeze %dma_start3A_5 : memref<1x64xi32, #tpu.memory_space<hbm>> -> memref<64xi32, #tpu.memory_space<hbm>>
    tpu.enqueue_dma source(%dma_start3A_6 : memref<64xi32, #tpu.memory_space<hbm>>) target(%arg6 : memref<64xi32, #tpu.memory_space<vmem>>) target_semaphore(%arg9 : memref<!tpu.dma_semaphore, #tpu.memory_space<semaphore_mem>>)
    %dma_start3A_7 = arith.constant 1 : i32
    %dma_start3A_8 = tpu.memref_slice %arg3[%dma_start3A_7, %mul3A_2] : memref<2x2048xi32, #tpu.memory_space<hbm>> -> memref<1x64xi32, #tpu.memory_space<hbm>>
    %dma_start3A_9 = tpu.memref_squeeze %dma_start3A_8 : memref<1x64xi32, #tpu.memory_space<hbm>> -> memref<64xi32, #tpu.memory_space<hbm>>
    %dma_start3A_10 = tpu.memref_slice %arg3[%dma_start3A_7, %mul3A_2] : memref<2x2048xi32, #tpu.memory_space<hbm>> -> memref<1x64xi32, #tpu.memory_space<hbm>>
    %dma_start3A_11 = tpu.memref_squeeze %dma_start3A_10 : memref<1x64xi32, #tpu.memory_space<hbm>> -> memref<64xi32, #tpu.memory_space<hbm>>
    tpu.enqueue_dma source(%dma_start3A_11 : memref<64xi32, #tpu.memory_space<hbm>>) target(%arg7 : memref<64xi32, #tpu.memory_space<vmem>>) target_semaphore(%arg10 : memref<!tpu.dma_semaphore, #tpu.memory_space<semaphore_mem>>)
    %dma_wait3A = arith.constant 0 : i32
    %dma_wait3A_12 = tpu.memref_slice %arg3[%dma_wait3A, %mul3A_2] : memref<2x2048xi32, #tpu.memory_space<hbm>> -> memref<1x64xi32, #tpu.memory_space<hbm>>
    %dma_wait3A_13 = tpu.memref_squeeze %dma_wait3A_12 : memref<1x64xi32, #tpu.memory_space<hbm>> -> memref<64xi32, #tpu.memory_space<hbm>>
    %dma_wait3A_14 = tpu.memref_slice %arg3[%dma_wait3A, %mul3A_2] : memref<2x2048xi32, #tpu.memory_space<hbm>> -> memref<1x64xi32, #tpu.memory_space<hbm>>
    %dma_wait3A_15 = tpu.memref_squeeze %dma_wait3A_14 : memref<1x64xi32, #tpu.memory_space<hbm>> -> memref<64xi32, #tpu.memory_space<hbm>>
    tpu.wait_dma2 semaphore(%arg9 : memref<!tpu.dma_semaphore, #tpu.memory_space<semaphore_mem>>) src(%dma_wait3A_15 : memref<64xi32, #tpu.memory_space<hbm>>) dst(%arg6 : memref<64xi32, #tpu.memory_space<vmem>>)
    %dma_wait3A_16 = arith.constant 1 : i32
    %dma_wait3A_17 = tpu.memref_slice %arg3[%dma_wait3A_16, %mul3A_2] : memref<2x2048xi32, #tpu.memory_space<hbm>> -> memref<1x64xi32, #tpu.memory_space<hbm>>
    %dma_wait3A_18 = tpu.memref_squeeze %dma_wait3A_17 : memref<1x64xi32, #tpu.memory_space<hbm>> -> memref<64xi32, #tpu.memory_space<hbm>>
    %dma_wait3A_19 = tpu.memref_slice %arg3[%dma_wait3A_16, %mul3A_2] : memref<2x2048xi32, #tpu.memory_space<hbm>> -> memref<1x64xi32, #tpu.memory_space<hbm>>
    %dma_wait3A_20 = tpu.memref_squeeze %dma_wait3A_19 : memref<1x64xi32, #tpu.memory_space<hbm>> -> memref<64xi32, #tpu.memory_space<hbm>>
    tpu.wait_dma2 semaphore(%arg10 : memref<!tpu.dma_semaphore, #tpu.memory_space<semaphore_mem>>) src(%dma_wait3A_20 : memref<64xi32, #tpu.memory_space<hbm>>) dst(%arg7 : memref<64xi32, #tpu.memory_space<vmem>>)
    %dma_start3A_21 = arith.constant 0 : i32
    %dma_start3A_22 = arith.constant 0 : i32
    %dma_start3A_23 = tpu.memref_slice %arg2[%dma_start3A_21, %dma_start3A_22] : memref<6144x1024xf32, #tpu.memory_space<hbm>> -> memref<6144x1024xf32, #tpu.memory_space<hbm>>
    tpu.enqueue_indirect_dma source(%dma_start3A_23 : memref<6144x1024xf32, #tpu.memory_space<hbm>>) target(%arg8 : memref<64x1024xf32, #tpu.memory_space<vmem>>) offsets(%arg6 : memref<64xi32, #tpu.memory_space<vmem>>) semaphore(%arg9 : memref<!tpu.dma_semaphore, #tpu.memory_space<semaphore_mem>>)
    %dma_wait3A_24 = arith.constant 0 : i32
    %dma_wait3A_25 = arith.constant 0 : i32
    %dma_wait3A_26 = tpu.memref_slice %arg2[%dma_wait3A_24, %dma_wait3A_25] : memref<6144x1024xf32, #tpu.memory_space<hbm>> -> memref<6144x1024xf32, #tpu.memory_space<hbm>>
    tpu.wait_indirect_dma semaphore(%arg9 : memref<!tpu.dma_semaphore, #tpu.memory_space<semaphore_mem>>) src(%dma_wait3A_26 : memref<6144x1024xf32, #tpu.memory_space<hbm>>) dst(%arg8 : memref<64x1024xf32, #tpu.memory_space<vmem>>)
    "tpu.region"() ({
      %run_scoped3A = tpu.sem_alloc : memref<!tpu.dma_semaphore, #tpu.memory_space<semaphore_mem>>
      %dma_start3A_33 = arith.constant 0 : i32
      %dma_start3A_34 = tpu.memref_slice %arg4[%mul3A_2, %dma_start3A_33] : memref<2048x1024xf32, #tpu.memory_space<hbm>> -> memref<64x1024xf32, #tpu.memory_space<hbm>>
      %dma_start3A_35 = arith.constant 0 : i32
      %dma_start3A_36 = tpu.memref_slice %arg4[%mul3A_2, %dma_start3A_35] : memref<2048x1024xf32, #tpu.memory_space<hbm>> -> memref<64x1024xf32, #tpu.memory_space<hbm>>
      tpu.enqueue_dma source(%arg8 : memref<64x1024xf32, #tpu.memory_space<vmem>>) target(%dma_start3A_36 : memref<64x1024xf32, #tpu.memory_space<hbm>>) target_semaphore(%run_scoped3A : memref<!tpu.dma_semaphore, #tpu.memory_space<semaphore_mem>>)
      %dma_wait3A_37 = arith.constant 0 : i32
      %dma_wait3A_38 = tpu.memref_slice %arg4[%mul3A_2, %dma_wait3A_37] : memref<2048x1024xf32, #tpu.memory_space<hbm>> -> memref<64x1024xf32, #tpu.memory_space<hbm>>
      %dma_wait3A_39 = arith.constant 0 : i32
      %dma_wait3A_40 = tpu.memref_slice %arg4[%mul3A_2, %dma_wait3A_39] : memref<2048x1024xf32, #tpu.memory_space<hbm>> -> memref<64x1024xf32, #tpu.memory_space<hbm>>
      tpu.wait_dma2 semaphore(%run_scoped3A : memref<!tpu.dma_semaphore, #tpu.memory_space<semaphore_mem>>) src(%arg8 : memref<64x1024xf32, #tpu.memory_space<vmem>>) dst(%dma_wait3A_40 : memref<64x1024xf32, #tpu.memory_space<hbm>>)
      tpu.yield
    }) : () -> ()
    %dma_start3A_27 = arith.constant 0 : i32
    %dma_start3A_28 = arith.constant 0 : i32
    %dma_start3A_29 = tpu.memref_slice %arg2[%dma_start3A_27, %dma_start3A_28] : memref<6144x1024xf32, #tpu.memory_space<hbm>> -> memref<6144x1024xf32, #tpu.memory_space<hbm>>
    tpu.enqueue_indirect_dma source(%dma_start3A_29 : memref<6144x1024xf32, #tpu.memory_space<hbm>>) target(%arg8 : memref<64x1024xf32, #tpu.memory_space<vmem>>) offsets(%arg7 : memref<64xi32, #tpu.memory_space<vmem>>) semaphore(%arg9 : memref<!tpu.dma_semaphore, #tpu.memory_space<semaphore_mem>>)
    %dma_wait3A_30 = arith.constant 0 : i32
    %dma_wait3A_31 = arith.constant 0 : i32
    %dma_wait3A_32 = tpu.memref_slice %arg2[%dma_wait3A_30, %dma_wait3A_31] : memref<6144x1024xf32, #tpu.memory_space<hbm>> -> memref<6144x1024xf32, #tpu.memory_space<hbm>>
    tpu.wait_indirect_dma semaphore(%arg9 : memref<!tpu.dma_semaphore, #tpu.memory_space<semaphore_mem>>) src(%dma_wait3A_32 : memref<6144x1024xf32, #tpu.memory_space<hbm>>) dst(%arg8 : memref<64x1024xf32, #tpu.memory_space<vmem>>)
    "tpu.region"() ({
      %run_scoped3A = tpu.sem_alloc : memref<!tpu.dma_semaphore, #tpu.memory_space<semaphore_mem>>
      %dma_start3A_33 = arith.constant 0 : i32
      %dma_start3A_34 = tpu.memref_slice %arg5[%mul3A_2, %dma_start3A_33] : memref<2048x1024xf32, #tpu.memory_space<hbm>> -> memref<64x1024xf32, #tpu.memory_space<hbm>>
      %dma_start3A_35 = arith.constant 0 : i32
      %dma_start3A_36 = tpu.memref_slice %arg5[%mul3A_2, %dma_start3A_35] : memref<2048x1024xf32, #tpu.memory_space<hbm>> -> memref<64x1024xf32, #tpu.memory_space<hbm>>
      tpu.enqueue_dma source(%arg8 : memref<64x1024xf32, #tpu.memory_space<vmem>>) target(%dma_start3A_36 : memref<64x1024xf32, #tpu.memory_space<hbm>>) target_semaphore(%run_scoped3A : memref<!tpu.dma_semaphore, #tpu.memory_space<semaphore_mem>>)
      %dma_wait3A_37 = arith.constant 0 : i32
      %dma_wait3A_38 = tpu.memref_slice %arg5[%mul3A_2, %dma_wait3A_37] : memref<2048x1024xf32, #tpu.memory_space<hbm>> -> memref<64x1024xf32, #tpu.memory_space<hbm>>
      %dma_wait3A_39 = arith.constant 0 : i32
      %dma_wait3A_40 = tpu.memref_slice %arg5[%mul3A_2, %dma_wait3A_39] : memref<2048x1024xf32, #tpu.memory_space<hbm>> -> memref<64x1024xf32, #tpu.memory_space<hbm>>
      tpu.wait_dma2 semaphore(%run_scoped3A : memref<!tpu.dma_semaphore, #tpu.memory_space<semaphore_mem>>) src(%arg8 : memref<64x1024xf32, #tpu.memory_space<vmem>>) dst(%dma_wait3A_40 : memref<64x1024xf32, #tpu.memory_space<hbm>>)
      tpu.yield
    }) : () -> ()
    return
  }
}

module attributes {stable_mosaic.version = 14 : i64} {
  func.func @_router_body(%arg0: memref<2048x1024xf32, #tpu.memory_space<vmem>>, %arg1: memref<1024x8xf32, #tpu.memory_space<vmem>>, %arg2: memref<128x128xbf16, #tpu.memory_space<vmem>>, %arg3: memref<2x2048xi32, #tpu.memory_space<vmem>>, %arg4: memref<2x64xi32, #tpu.memory_space<vmem>>, %arg5: memref<1x1xf32, #tpu.memory_space<vmem>>) attributes {dimension_semantics = [], scalar_prefetch = 0 : i64, scratch_operands = 0 : i64, tpu.core_type = #tpu.core_type<tc>} {
    %get3A = arith.constant 0 : index
    %get3A_0 = arith.constant 0 : index
    %get3A_1 = vector.load %arg0[%get3A, %get3A_0] : memref<2048x1024xf32, #tpu.memory_space<vmem>>, vector<2048x1024xf32>
    %get3A_2 = arith.constant 0 : index
    %get3A_3 = arith.constant 0 : index
    %get3A_4 = vector.load %arg1[%get3A_2, %get3A_3] : memref<1024x8xf32, #tpu.memory_space<vmem>>, vector<1024x8xf32>
    %dot_general3A = arith.constant dense<0.000000e+00> : vector<8x2048xf32>
    %dot_general3A_5 = tpu.matmul %get3A_4, %get3A_1, %dot_general3A {dimension_numbers = #tpu.dot_dimension_numbers<[0], [1], [1], [0], [0, 1, 1, 0], [], []>, transpose_lhs_hint = false} : vector<1024x8xf32>, vector<2048x1024xf32>, vector<8x2048xf32> -> vector<8x2048xf32>
    %reduce_max3A = arith.constant dense<0xFF800000> : vector<2048xf32>
    %reduce_max3A_6 = vector.multi_reduction <maximumf>, %dot_general3A_5, %reduce_max3A [0] : vector<8x2048xf32> to vector<2048xf32>
    %broadcast_in_dim3A = vector.shape_cast %reduce_max3A_6 : vector<2048xf32> to vector<1x2048xf32>
    %sub3A = vector.broadcast %broadcast_in_dim3A : vector<1x2048xf32> to vector<8x2048xf32>
    %sub3A_7 = arith.subf %dot_general3A_5, %sub3A : vector<8x2048xf32>
    %exp3A = math.exp %sub3A_7 : vector<8x2048xf32>
    %reduce_sum3A = arith.constant dense<0.000000e+00> : vector<2048xf32>
    %reduce_sum3A_8 = vector.multi_reduction <add>, %exp3A, %reduce_sum3A [0] : vector<8x2048xf32> to vector<2048xf32>
    %broadcast_in_dim3A_9 = vector.shape_cast %reduce_sum3A_8 : vector<2048xf32> to vector<1x2048xf32>
    %div3A = vector.broadcast %broadcast_in_dim3A_9 : vector<1x2048xf32> to vector<8x2048xf32>
    %div3A_10 = arith.divf %exp3A, %div3A : vector<8x2048xf32>
    %iota3A = tpu.iota {dimensions = array<i32: 0>} : vector<8x2048xi32>
    %reduce_max3A_11 = arith.constant dense<0xFF800000> : vector<2048xf32>
    %reduce_max3A_12 = vector.multi_reduction <maximumf>, %div3A_10, %reduce_max3A_11 [0] : vector<8x2048xf32> to vector<2048xf32>
    %broadcast_in_dim3A_13 = vector.shape_cast %reduce_max3A_12 : vector<2048xf32> to vector<1x2048xf32>
    %eq3A = vector.broadcast %broadcast_in_dim3A_13 : vector<1x2048xf32> to vector<8x2048xf32>
    %eq3A_14 = arith.cmpf oeq, %div3A_10, %eq3A : vector<8x2048xf32>
    %jit3A = arith.constant 8 : i32
    %broadcast_in_dim3A_15 = vector.broadcast %jit3A : i32 to vector<8x2048xi32>
    %select_n3A = arith.select %eq3A_14, %iota3A, %broadcast_in_dim3A_15 : vector<8x2048xi1>, vector<8x2048xi32>
    %reduce_min3A = arith.constant dense<2147483647> : vector<2048xi32>
    %reduce_min3A_16 = vector.multi_reduction <minsi>, %select_n3A, %reduce_min3A [0] : vector<8x2048xi32> to vector<2048xi32>
    %broadcast_in_dim3A_17 = vector.shape_cast %reduce_min3A_16 : vector<2048xi32> to vector<1x2048xi32>
    %eq3A_18 = vector.broadcast %broadcast_in_dim3A_17 : vector<1x2048xi32> to vector<8x2048xi32>
    %eq3A_19 = arith.cmpi eq, %iota3A, %eq3A_18 : vector<8x2048xi32>
    %jit3A_20 = arith.constant 0xFF800000 : f32
    %broadcast_in_dim3A_21 = vector.broadcast %jit3A_20 : f32 to vector<8x2048xf32>
    %select_n3A_22 = arith.select %eq3A_19, %broadcast_in_dim3A_21, %div3A_10 : vector<8x2048xi1>, vector<8x2048xf32>
    %reduce_max3A_23 = arith.constant dense<0xFF800000> : vector<2048xf32>
    %reduce_max3A_24 = vector.multi_reduction <maximumf>, %select_n3A_22, %reduce_max3A_23 [0] : vector<8x2048xf32> to vector<2048xf32>
    %broadcast_in_dim3A_25 = vector.shape_cast %reduce_max3A_24 : vector<2048xf32> to vector<1x2048xf32>
    %eq3A_26 = vector.broadcast %broadcast_in_dim3A_25 : vector<1x2048xf32> to vector<8x2048xf32>
    %eq3A_27 = arith.cmpf oeq, %select_n3A_22, %eq3A_26 : vector<8x2048xf32>
    %jit3A_28 = arith.constant 8 : i32
    %broadcast_in_dim3A_29 = vector.broadcast %jit3A_28 : i32 to vector<8x2048xi32>
    %select_n3A_30 = arith.select %eq3A_27, %iota3A, %broadcast_in_dim3A_29 : vector<8x2048xi1>, vector<8x2048xi32>
    %reduce_min3A_31 = arith.constant dense<2147483647> : vector<2048xi32>
    %reduce_min3A_32 = vector.multi_reduction <minsi>, %select_n3A_30, %reduce_min3A_31 [0] : vector<8x2048xi32> to vector<2048xi32>
    %broadcast_in_dim3A_33 = vector.shape_cast %reduce_min3A_32 : vector<2048xi32> to vector<1x2048xi32>
    %eq3A_34 = vector.broadcast %broadcast_in_dim3A_17 : vector<1x2048xi32> to vector<8x2048xi32>
    %eq3A_35 = arith.cmpi eq, %iota3A, %eq3A_34 : vector<8x2048xi32>
    %eq3A_36 = vector.broadcast %broadcast_in_dim3A_33 : vector<1x2048xi32> to vector<8x2048xi32>
    %eq3A_37 = arith.cmpi eq, %iota3A, %eq3A_36 : vector<8x2048xi32>
    %or3A = arith.ori %eq3A_35, %eq3A_37 : vector<8x2048xi1>
    %convert_element_type3A = arith.extui %or3A : vector<8x2048xi1> to vector<8x2048xi32>
    %convert_element_type3A_38 = arith.sitofp %convert_element_type3A : vector<8x2048xi32> to vector<8x2048xf32>
    %convert_element_type3A_39 = arith.truncf %convert_element_type3A_38 : vector<8x2048xf32> to vector<8x2048xbf16>
    %get3A_40 = arith.constant 0 : index
    %get3A_41 = arith.constant 0 : index
    %get3A_42 = vector.load %arg2[%get3A_40, %get3A_41] : memref<128x128xbf16, #tpu.memory_space<vmem>>, vector<128x128xbf16>
    %broadcast_in_dim3A_43 = arith.constant 0.000000e+00 : f32
    %broadcast_in_dim3A_44 = vector.broadcast %broadcast_in_dim3A_43 : f32 to vector<8x1xf32>
    %slice3A = vector.extract_strided_slice %convert_element_type3A_39 {offsets = [0, 0], sizes = [8, 128], strides = [1, 1]} : vector<8x2048xbf16> to vector<8x128xbf16>
    %dot_general3A_45 = arith.constant dense<0.000000e+00> : vector<8x128xf32>
    %dot_general3A_46 = tpu.matmul %slice3A, %get3A_42, %dot_general3A_45 {dimension_numbers = #tpu.dot_dimension_numbers<[1], [0], [0], [1], [0, 0, 1, 1], [], []>, transpose_lhs_hint = false} : vector<8x128xbf16>, vector<128x128xbf16>, vector<8x128xf32> -> vector<8x128xf32>
    %add3A = vector.broadcast %broadcast_in_dim3A_44 : vector<8x1xf32> to vector<8x128xf32>
    %add3A_47 = arith.addf %dot_general3A_46, %add3A : vector<8x128xf32>
    %convert_element_type3A_48 = arith.extf %slice3A : vector<8x128xbf16> to vector<8x128xf32>
    %reduce_sum3A_49 = arith.constant dense<0.000000e+00> : vector<8xf32>
    %reduce_sum3A_50 = vector.multi_reduction <add>, %convert_element_type3A_48, %reduce_sum3A_49 [1] : vector<8x128xf32> to vector<8xf32>
    %broadcast_in_dim3A_51 = vector.shape_cast %reduce_sum3A_50 : vector<8xf32> to vector<8x1xf32>
    %add3A_52 = arith.addf %broadcast_in_dim3A_44, %broadcast_in_dim3A_51 : vector<8x1xf32>
    %slice3A_53 = vector.extract_strided_slice %convert_element_type3A_39 {offsets = [0, 128], sizes = [8, 128], strides = [1, 1]} : vector<8x2048xbf16> to vector<8x128xbf16>
    %dot_general3A_54 = arith.constant dense<0.000000e+00> : vector<8x128xf32>
    %dot_general3A_55 = tpu.matmul %slice3A_53, %get3A_42, %dot_general3A_54 {dimension_numbers = #tpu.dot_dimension_numbers<[1], [0], [0], [1], [0, 0, 1, 1], [], []>, transpose_lhs_hint = false} : vector<8x128xbf16>, vector<128x128xbf16>, vector<8x128xf32> -> vector<8x128xf32>
    %add3A_56 = vector.broadcast %add3A_52 : vector<8x1xf32> to vector<8x128xf32>
    %add3A_57 = arith.addf %dot_general3A_55, %add3A_56 : vector<8x128xf32>
    %convert_element_type3A_58 = arith.extf %slice3A_53 : vector<8x128xbf16> to vector<8x128xf32>
    %reduce_sum3A_59 = arith.constant dense<0.000000e+00> : vector<8xf32>
    %reduce_sum3A_60 = vector.multi_reduction <add>, %convert_element_type3A_58, %reduce_sum3A_59 [1] : vector<8x128xf32> to vector<8xf32>
    %broadcast_in_dim3A_61 = vector.shape_cast %reduce_sum3A_60 : vector<8xf32> to vector<8x1xf32>
    %add3A_62 = arith.addf %add3A_52, %broadcast_in_dim3A_61 : vector<8x1xf32>
    %slice3A_63 = vector.extract_strided_slice %convert_element_type3A_39 {offsets = [0, 256], sizes = [8, 128], strides = [1, 1]} : vector<8x2048xbf16> to vector<8x128xbf16>
    %dot_general3A_64 = arith.constant dense<0.000000e+00> : vector<8x128xf32>
    %dot_general3A_65 = tpu.matmul %slice3A_63, %get3A_42, %dot_general3A_64 {dimension_numbers = #tpu.dot_dimension_numbers<[1], [0], [0], [1], [0, 0, 1, 1], [], []>, transpose_lhs_hint = false} : vector<8x128xbf16>, vector<128x128xbf16>, vector<8x128xf32> -> vector<8x128xf32>
    %add3A_66 = vector.broadcast %add3A_62 : vector<8x1xf32> to vector<8x128xf32>
    %add3A_67 = arith.addf %dot_general3A_65, %add3A_66 : vector<8x128xf32>
    %convert_element_type3A_68 = arith.extf %slice3A_63 : vector<8x128xbf16> to vector<8x128xf32>
    %reduce_sum3A_69 = arith.constant dense<0.000000e+00> : vector<8xf32>
    %reduce_sum3A_70 = vector.multi_reduction <add>, %convert_element_type3A_68, %reduce_sum3A_69 [1] : vector<8x128xf32> to vector<8xf32>
    %broadcast_in_dim3A_71 = vector.shape_cast %reduce_sum3A_70 : vector<8xf32> to vector<8x1xf32>
    %add3A_72 = arith.addf %add3A_62, %broadcast_in_dim3A_71 : vector<8x1xf32>
    %slice3A_73 = vector.extract_strided_slice %convert_element_type3A_39 {offsets = [0, 384], sizes = [8, 128], strides = [1, 1]} : vector<8x2048xbf16> to vector<8x128xbf16>
    %dot_general3A_74 = arith.constant dense<0.000000e+00> : vector<8x128xf32>
    %dot_general3A_75 = tpu.matmul %slice3A_73, %get3A_42, %dot_general3A_74 {dimension_numbers = #tpu.dot_dimension_numbers<[1], [0], [0], [1], [0, 0, 1, 1], [], []>, transpose_lhs_hint = false} : vector<8x128xbf16>, vector<128x128xbf16>, vector<8x128xf32> -> vector<8x128xf32>
    %add3A_76 = vector.broadcast %add3A_72 : vector<8x1xf32> to vector<8x128xf32>
    %add3A_77 = arith.addf %dot_general3A_75, %add3A_76 : vector<8x128xf32>
    %convert_element_type3A_78 = arith.extf %slice3A_73 : vector<8x128xbf16> to vector<8x128xf32>
    %reduce_sum3A_79 = arith.constant dense<0.000000e+00> : vector<8xf32>
    %reduce_sum3A_80 = vector.multi_reduction <add>, %convert_element_type3A_78, %reduce_sum3A_79 [1] : vector<8x128xf32> to vector<8xf32>
    %broadcast_in_dim3A_81 = vector.shape_cast %reduce_sum3A_80 : vector<8xf32> to vector<8x1xf32>
    %add3A_82 = arith.addf %add3A_72, %broadcast_in_dim3A_81 : vector<8x1xf32>
    %slice3A_83 = vector.extract_strided_slice %convert_element_type3A_39 {offsets = [0, 512], sizes = [8, 128], strides = [1, 1]} : vector<8x2048xbf16> to vector<8x128xbf16>
    %dot_general3A_84 = arith.constant dense<0.000000e+00> : vector<8x128xf32>
    %dot_general3A_85 = tpu.matmul %slice3A_83, %get3A_42, %dot_general3A_84 {dimension_numbers = #tpu.dot_dimension_numbers<[1], [0], [0], [1], [0, 0, 1, 1], [], []>, transpose_lhs_hint = false} : vector<8x128xbf16>, vector<128x128xbf16>, vector<8x128xf32> -> vector<8x128xf32>
    %add3A_86 = vector.broadcast %add3A_82 : vector<8x1xf32> to vector<8x128xf32>
    %add3A_87 = arith.addf %dot_general3A_85, %add3A_86 : vector<8x128xf32>
    %convert_element_type3A_88 = arith.extf %slice3A_83 : vector<8x128xbf16> to vector<8x128xf32>
    %reduce_sum3A_89 = arith.constant dense<0.000000e+00> : vector<8xf32>
    %reduce_sum3A_90 = vector.multi_reduction <add>, %convert_element_type3A_88, %reduce_sum3A_89 [1] : vector<8x128xf32> to vector<8xf32>
    %broadcast_in_dim3A_91 = vector.shape_cast %reduce_sum3A_90 : vector<8xf32> to vector<8x1xf32>
    %add3A_92 = arith.addf %add3A_82, %broadcast_in_dim3A_91 : vector<8x1xf32>
    %slice3A_93 = vector.extract_strided_slice %convert_element_type3A_39 {offsets = [0, 640], sizes = [8, 128], strides = [1, 1]} : vector<8x2048xbf16> to vector<8x128xbf16>
    %dot_general3A_94 = arith.constant dense<0.000000e+00> : vector<8x128xf32>
    %dot_general3A_95 = tpu.matmul %slice3A_93, %get3A_42, %dot_general3A_94 {dimension_numbers = #tpu.dot_dimension_numbers<[1], [0], [0], [1], [0, 0, 1, 1], [], []>, transpose_lhs_hint = false} : vector<8x128xbf16>, vector<128x128xbf16>, vector<8x128xf32> -> vector<8x128xf32>
    %add3A_96 = vector.broadcast %add3A_92 : vector<8x1xf32> to vector<8x128xf32>
    %add3A_97 = arith.addf %dot_general3A_95, %add3A_96 : vector<8x128xf32>
    %convert_element_type3A_98 = arith.extf %slice3A_93 : vector<8x128xbf16> to vector<8x128xf32>
    %reduce_sum3A_99 = arith.constant dense<0.000000e+00> : vector<8xf32>
    %reduce_sum3A_100 = vector.multi_reduction <add>, %convert_element_type3A_98, %reduce_sum3A_99 [1] : vector<8x128xf32> to vector<8xf32>
    %broadcast_in_dim3A_101 = vector.shape_cast %reduce_sum3A_100 : vector<8xf32> to vector<8x1xf32>
    %add3A_102 = arith.addf %add3A_92, %broadcast_in_dim3A_101 : vector<8x1xf32>
    %slice3A_103 = vector.extract_strided_slice %convert_element_type3A_39 {offsets = [0, 768], sizes = [8, 128], strides = [1, 1]} : vector<8x2048xbf16> to vector<8x128xbf16>
    %dot_general3A_104 = arith.constant dense<0.000000e+00> : vector<8x128xf32>
    %dot_general3A_105 = tpu.matmul %slice3A_103, %get3A_42, %dot_general3A_104 {dimension_numbers = #tpu.dot_dimension_numbers<[1], [0], [0], [1], [0, 0, 1, 1], [], []>, transpose_lhs_hint = false} : vector<8x128xbf16>, vector<128x128xbf16>, vector<8x128xf32> -> vector<8x128xf32>
    %add3A_106 = vector.broadcast %add3A_102 : vector<8x1xf32> to vector<8x128xf32>
    %add3A_107 = arith.addf %dot_general3A_105, %add3A_106 : vector<8x128xf32>
    %convert_element_type3A_108 = arith.extf %slice3A_103 : vector<8x128xbf16> to vector<8x128xf32>
    %reduce_sum3A_109 = arith.constant dense<0.000000e+00> : vector<8xf32>
    %reduce_sum3A_110 = vector.multi_reduction <add>, %convert_element_type3A_108, %reduce_sum3A_109 [1] : vector<8x128xf32> to vector<8xf32>
    %broadcast_in_dim3A_111 = vector.shape_cast %reduce_sum3A_110 : vector<8xf32> to vector<8x1xf32>
    %add3A_112 = arith.addf %add3A_102, %broadcast_in_dim3A_111 : vector<8x1xf32>
    %slice3A_113 = vector.extract_strided_slice %convert_element_type3A_39 {offsets = [0, 896], sizes = [8, 128], strides = [1, 1]} : vector<8x2048xbf16> to vector<8x128xbf16>
    %dot_general3A_114 = arith.constant dense<0.000000e+00> : vector<8x128xf32>
    %dot_general3A_115 = tpu.matmul %slice3A_113, %get3A_42, %dot_general3A_114 {dimension_numbers = #tpu.dot_dimension_numbers<[1], [0], [0], [1], [0, 0, 1, 1], [], []>, transpose_lhs_hint = false} : vector<8x128xbf16>, vector<128x128xbf16>, vector<8x128xf32> -> vector<8x128xf32>
    %add3A_116 = vector.broadcast %add3A_112 : vector<8x1xf32> to vector<8x128xf32>
    %add3A_117 = arith.addf %dot_general3A_115, %add3A_116 : vector<8x128xf32>
    %convert_element_type3A_118 = arith.extf %slice3A_113 : vector<8x128xbf16> to vector<8x128xf32>
    %reduce_sum3A_119 = arith.constant dense<0.000000e+00> : vector<8xf32>
    %reduce_sum3A_120 = vector.multi_reduction <add>, %convert_element_type3A_118, %reduce_sum3A_119 [1] : vector<8x128xf32> to vector<8xf32>
    %broadcast_in_dim3A_121 = vector.shape_cast %reduce_sum3A_120 : vector<8xf32> to vector<8x1xf32>
    %add3A_122 = arith.addf %add3A_112, %broadcast_in_dim3A_121 : vector<8x1xf32>
    %slice3A_123 = vector.extract_strided_slice %convert_element_type3A_39 {offsets = [0, 1024], sizes = [8, 128], strides = [1, 1]} : vector<8x2048xbf16> to vector<8x128xbf16>
    %dot_general3A_124 = arith.constant dense<0.000000e+00> : vector<8x128xf32>
    %dot_general3A_125 = tpu.matmul %slice3A_123, %get3A_42, %dot_general3A_124 {dimension_numbers = #tpu.dot_dimension_numbers<[1], [0], [0], [1], [0, 0, 1, 1], [], []>, transpose_lhs_hint = false} : vector<8x128xbf16>, vector<128x128xbf16>, vector<8x128xf32> -> vector<8x128xf32>
    %add3A_126 = vector.broadcast %add3A_122 : vector<8x1xf32> to vector<8x128xf32>
    %add3A_127 = arith.addf %dot_general3A_125, %add3A_126 : vector<8x128xf32>
    %convert_element_type3A_128 = arith.extf %slice3A_123 : vector<8x128xbf16> to vector<8x128xf32>
    %reduce_sum3A_129 = arith.constant dense<0.000000e+00> : vector<8xf32>
    %reduce_sum3A_130 = vector.multi_reduction <add>, %convert_element_type3A_128, %reduce_sum3A_129 [1] : vector<8x128xf32> to vector<8xf32>
    %broadcast_in_dim3A_131 = vector.shape_cast %reduce_sum3A_130 : vector<8xf32> to vector<8x1xf32>
    %add3A_132 = arith.addf %add3A_122, %broadcast_in_dim3A_131 : vector<8x1xf32>
    %slice3A_133 = vector.extract_strided_slice %convert_element_type3A_39 {offsets = [0, 1152], sizes = [8, 128], strides = [1, 1]} : vector<8x2048xbf16> to vector<8x128xbf16>
    %dot_general3A_134 = arith.constant dense<0.000000e+00> : vector<8x128xf32>
    %dot_general3A_135 = tpu.matmul %slice3A_133, %get3A_42, %dot_general3A_134 {dimension_numbers = #tpu.dot_dimension_numbers<[1], [0], [0], [1], [0, 0, 1, 1], [], []>, transpose_lhs_hint = false} : vector<8x128xbf16>, vector<128x128xbf16>, vector<8x128xf32> -> vector<8x128xf32>
    %add3A_136 = vector.broadcast %add3A_132 : vector<8x1xf32> to vector<8x128xf32>
    %add3A_137 = arith.addf %dot_general3A_135, %add3A_136 : vector<8x128xf32>
    %convert_element_type3A_138 = arith.extf %slice3A_133 : vector<8x128xbf16> to vector<8x128xf32>
    %reduce_sum3A_139 = arith.constant dense<0.000000e+00> : vector<8xf32>
    %reduce_sum3A_140 = vector.multi_reduction <add>, %convert_element_type3A_138, %reduce_sum3A_139 [1] : vector<8x128xf32> to vector<8xf32>
    %broadcast_in_dim3A_141 = vector.shape_cast %reduce_sum3A_140 : vector<8xf32> to vector<8x1xf32>
    %add3A_142 = arith.addf %add3A_132, %broadcast_in_dim3A_141 : vector<8x1xf32>
    %slice3A_143 = vector.extract_strided_slice %convert_element_type3A_39 {offsets = [0, 1280], sizes = [8, 128], strides = [1, 1]} : vector<8x2048xbf16> to vector<8x128xbf16>
    %dot_general3A_144 = arith.constant dense<0.000000e+00> : vector<8x128xf32>
    %dot_general3A_145 = tpu.matmul %slice3A_143, %get3A_42, %dot_general3A_144 {dimension_numbers = #tpu.dot_dimension_numbers<[1], [0], [0], [1], [0, 0, 1, 1], [], []>, transpose_lhs_hint = false} : vector<8x128xbf16>, vector<128x128xbf16>, vector<8x128xf32> -> vector<8x128xf32>
    %add3A_146 = vector.broadcast %add3A_142 : vector<8x1xf32> to vector<8x128xf32>
    %add3A_147 = arith.addf %dot_general3A_145, %add3A_146 : vector<8x128xf32>
    %convert_element_type3A_148 = arith.extf %slice3A_143 : vector<8x128xbf16> to vector<8x128xf32>
    %reduce_sum3A_149 = arith.constant dense<0.000000e+00> : vector<8xf32>
    %reduce_sum3A_150 = vector.multi_reduction <add>, %convert_element_type3A_148, %reduce_sum3A_149 [1] : vector<8x128xf32> to vector<8xf32>
    %broadcast_in_dim3A_151 = vector.shape_cast %reduce_sum3A_150 : vector<8xf32> to vector<8x1xf32>
    %add3A_152 = arith.addf %add3A_142, %broadcast_in_dim3A_151 : vector<8x1xf32>
    %slice3A_153 = vector.extract_strided_slice %convert_element_type3A_39 {offsets = [0, 1408], sizes = [8, 128], strides = [1, 1]} : vector<8x2048xbf16> to vector<8x128xbf16>
    %dot_general3A_154 = arith.constant dense<0.000000e+00> : vector<8x128xf32>
    %dot_general3A_155 = tpu.matmul %slice3A_153, %get3A_42, %dot_general3A_154 {dimension_numbers = #tpu.dot_dimension_numbers<[1], [0], [0], [1], [0, 0, 1, 1], [], []>, transpose_lhs_hint = false} : vector<8x128xbf16>, vector<128x128xbf16>, vector<8x128xf32> -> vector<8x128xf32>
    %add3A_156 = vector.broadcast %add3A_152 : vector<8x1xf32> to vector<8x128xf32>
    %add3A_157 = arith.addf %dot_general3A_155, %add3A_156 : vector<8x128xf32>
    %convert_element_type3A_158 = arith.extf %slice3A_153 : vector<8x128xbf16> to vector<8x128xf32>
    %reduce_sum3A_159 = arith.constant dense<0.000000e+00> : vector<8xf32>
    %reduce_sum3A_160 = vector.multi_reduction <add>, %convert_element_type3A_158, %reduce_sum3A_159 [1] : vector<8x128xf32> to vector<8xf32>
    %broadcast_in_dim3A_161 = vector.shape_cast %reduce_sum3A_160 : vector<8xf32> to vector<8x1xf32>
    %add3A_162 = arith.addf %add3A_152, %broadcast_in_dim3A_161 : vector<8x1xf32>
    %slice3A_163 = vector.extract_strided_slice %convert_element_type3A_39 {offsets = [0, 1536], sizes = [8, 128], strides = [1, 1]} : vector<8x2048xbf16> to vector<8x128xbf16>
    %dot_general3A_164 = arith.constant dense<0.000000e+00> : vector<8x128xf32>
    %dot_general3A_165 = tpu.matmul %slice3A_163, %get3A_42, %dot_general3A_164 {dimension_numbers = #tpu.dot_dimension_numbers<[1], [0], [0], [1], [0, 0, 1, 1], [], []>, transpose_lhs_hint = false} : vector<8x128xbf16>, vector<128x128xbf16>, vector<8x128xf32> -> vector<8x128xf32>
    %add3A_166 = vector.broadcast %add3A_162 : vector<8x1xf32> to vector<8x128xf32>
    %add3A_167 = arith.addf %dot_general3A_165, %add3A_166 : vector<8x128xf32>
    %convert_element_type3A_168 = arith.extf %slice3A_163 : vector<8x128xbf16> to vector<8x128xf32>
    %reduce_sum3A_169 = arith.constant dense<0.000000e+00> : vector<8xf32>
    %reduce_sum3A_170 = vector.multi_reduction <add>, %convert_element_type3A_168, %reduce_sum3A_169 [1] : vector<8x128xf32> to vector<8xf32>
    %broadcast_in_dim3A_171 = vector.shape_cast %reduce_sum3A_170 : vector<8xf32> to vector<8x1xf32>
    %add3A_172 = arith.addf %add3A_162, %broadcast_in_dim3A_171 : vector<8x1xf32>
    %slice3A_173 = vector.extract_strided_slice %convert_element_type3A_39 {offsets = [0, 1664], sizes = [8, 128], strides = [1, 1]} : vector<8x2048xbf16> to vector<8x128xbf16>
    %dot_general3A_174 = arith.constant dense<0.000000e+00> : vector<8x128xf32>
    %dot_general3A_175 = tpu.matmul %slice3A_173, %get3A_42, %dot_general3A_174 {dimension_numbers = #tpu.dot_dimension_numbers<[1], [0], [0], [1], [0, 0, 1, 1], [], []>, transpose_lhs_hint = false} : vector<8x128xbf16>, vector<128x128xbf16>, vector<8x128xf32> -> vector<8x128xf32>
    %add3A_176 = vector.broadcast %add3A_172 : vector<8x1xf32> to vector<8x128xf32>
    %add3A_177 = arith.addf %dot_general3A_175, %add3A_176 : vector<8x128xf32>
    %convert_element_type3A_178 = arith.extf %slice3A_173 : vector<8x128xbf16> to vector<8x128xf32>
    %reduce_sum3A_179 = arith.constant dense<0.000000e+00> : vector<8xf32>
    %reduce_sum3A_180 = vector.multi_reduction <add>, %convert_element_type3A_178, %reduce_sum3A_179 [1] : vector<8x128xf32> to vector<8xf32>
    %broadcast_in_dim3A_181 = vector.shape_cast %reduce_sum3A_180 : vector<8xf32> to vector<8x1xf32>
    %add3A_182 = arith.addf %add3A_172, %broadcast_in_dim3A_181 : vector<8x1xf32>
    %slice3A_183 = vector.extract_strided_slice %convert_element_type3A_39 {offsets = [0, 1792], sizes = [8, 128], strides = [1, 1]} : vector<8x2048xbf16> to vector<8x128xbf16>
    %dot_general3A_184 = arith.constant dense<0.000000e+00> : vector<8x128xf32>
    %dot_general3A_185 = tpu.matmul %slice3A_183, %get3A_42, %dot_general3A_184 {dimension_numbers = #tpu.dot_dimension_numbers<[1], [0], [0], [1], [0, 0, 1, 1], [], []>, transpose_lhs_hint = false} : vector<8x128xbf16>, vector<128x128xbf16>, vector<8x128xf32> -> vector<8x128xf32>
    %add3A_186 = vector.broadcast %add3A_182 : vector<8x1xf32> to vector<8x128xf32>
    %add3A_187 = arith.addf %dot_general3A_185, %add3A_186 : vector<8x128xf32>
    %convert_element_type3A_188 = arith.extf %slice3A_183 : vector<8x128xbf16> to vector<8x128xf32>
    %reduce_sum3A_189 = arith.constant dense<0.000000e+00> : vector<8xf32>
    %reduce_sum3A_190 = vector.multi_reduction <add>, %convert_element_type3A_188, %reduce_sum3A_189 [1] : vector<8x128xf32> to vector<8xf32>
    %broadcast_in_dim3A_191 = vector.shape_cast %reduce_sum3A_190 : vector<8xf32> to vector<8x1xf32>
    %add3A_192 = arith.addf %add3A_182, %broadcast_in_dim3A_191 : vector<8x1xf32>
    %slice3A_193 = vector.extract_strided_slice %convert_element_type3A_39 {offsets = [0, 1920], sizes = [8, 128], strides = [1, 1]} : vector<8x2048xbf16> to vector<8x128xbf16>
    %dot_general3A_194 = arith.constant dense<0.000000e+00> : vector<8x128xf32>
    %dot_general3A_195 = tpu.matmul %slice3A_193, %get3A_42, %dot_general3A_194 {dimension_numbers = #tpu.dot_dimension_numbers<[1], [0], [0], [1], [0, 0, 1, 1], [], []>, transpose_lhs_hint = false} : vector<8x128xbf16>, vector<128x128xbf16>, vector<8x128xf32> -> vector<8x128xf32>
    %add3A_196 = vector.broadcast %add3A_192 : vector<8x1xf32> to vector<8x128xf32>
    %add3A_197 = arith.addf %dot_general3A_195, %add3A_196 : vector<8x128xf32>
    %concatenate3A = tpu.concatenate %add3A_47, %add3A_57, %add3A_67, %add3A_77, %add3A_87, %add3A_97, %add3A_107, %add3A_117, %add3A_127, %add3A_137, %add3A_147, %add3A_157, %add3A_167, %add3A_177, %add3A_187, %add3A_197 in 1 : vector<8x128xf32>, vector<8x128xf32>, vector<8x128xf32>, vector<8x128xf32>, vector<8x128xf32>, vector<8x128xf32>, vector<8x128xf32>, vector<8x128xf32>, vector<8x128xf32>, vector<8x128xf32>, vector<8x128xf32>, vector<8x128xf32>, vector<8x128xf32>, vector<8x128xf32>, vector<8x128xf32>, vector<8x128xf32> -> vector<8x2048xf32>
    %convert_element_type3A_198 = arith.extf %convert_element_type3A_39 : vector<8x2048xbf16> to vector<8x2048xf32>
    %reduce_sum3A_199 = arith.constant dense<0.000000e+00> : vector<8xf32>
    %reduce_sum3A_200 = vector.multi_reduction <add>, %convert_element_type3A_198, %reduce_sum3A_199 [1] : vector<8x2048xf32> to vector<8xf32>
    %broadcast_in_dim3A_201 = vector.shape_cast %reduce_sum3A_200 : vector<8xf32> to vector<8x1xf32>
    %div3A_202 = arith.constant 2.560000e+02 : f32
    %div3A_203 = vector.broadcast %div3A_202 : f32 to vector<8x1xf32>
    %div3A_204 = arith.divf %broadcast_in_dim3A_201, %div3A_203 : vector<8x1xf32>
    %ceil3A = math.ceil %div3A_204 : vector<8x1xf32>
    %mul3A = arith.constant 2.560000e+02 : f32
    %mul3A_205 = vector.broadcast %mul3A : f32 to vector<8x1xf32>
    %mul3A_206 = arith.mulf %ceil3A, %mul3A_205 : vector<8x1xf32>
    %iota3A_207 = tpu.iota {dimensions = array<i32: 0>} : vector<8x8xi32>
    %iota3A_208 = tpu.iota {dimensions = array<i32: 1>} : vector<8x8xi32>
    %lt3A = arith.cmpi slt, %iota3A_208, %iota3A_207 : vector<8x8xi32>
    %convert_element_type3A_209 = arith.extui %lt3A : vector<8x8xi1> to vector<8x8xi32>
    %convert_element_type3A_210 = arith.sitofp %convert_element_type3A_209 : vector<8x8xi32> to vector<8x8xf32>
    %dot_general3A_211 = arith.constant dense<0.000000e+00> : vector<8x1xf32>
    %dot_general3A_212 = tpu.matmul %convert_element_type3A_210, %mul3A_206, %dot_general3A_211 {dimension_numbers = #tpu.dot_dimension_numbers<[1], [0], [0], [1], [0, 0, 1, 1], [], []>, transpose_lhs_hint = false} : vector<8x8xf32>, vector<8x1xf32>, vector<8x1xf32> -> vector<8x1xf32>
    %add3A_213 = vector.broadcast %dot_general3A_212 : vector<8x1xf32> to vector<8x2048xf32>
    %add3A_214 = arith.addf %add3A_213, %concatenate3A : vector<8x2048xf32>
    %eq3A_215 = vector.broadcast %broadcast_in_dim3A_17 : vector<1x2048xi32> to vector<8x2048xi32>
    %eq3A_216 = arith.cmpi eq, %iota3A, %eq3A_215 : vector<8x2048xi32>
    %jit3A_217 = arith.constant 0.000000e+00 : f32
    %broadcast_in_dim3A_218 = vector.broadcast %jit3A_217 : f32 to vector<8x2048xf32>
    %select_n3A_219 = arith.select %eq3A_216, %add3A_214, %broadcast_in_dim3A_218 : vector<8x2048xi1>, vector<8x2048xf32>
    %reduce_sum3A_220 = arith.constant dense<0.000000e+00> : vector<2048xf32>
    %reduce_sum3A_221 = vector.multi_reduction <add>, %select_n3A_219, %reduce_sum3A_220 [0] : vector<8x2048xf32> to vector<2048xf32>
    %broadcast_in_dim3A_222 = vector.shape_cast %reduce_sum3A_221 : vector<2048xf32> to vector<1x2048xf32>
    %eq3A_223 = vector.broadcast %broadcast_in_dim3A_33 : vector<1x2048xi32> to vector<8x2048xi32>
    %eq3A_224 = arith.cmpi eq, %iota3A, %eq3A_223 : vector<8x2048xi32>
    %jit3A_225 = arith.constant 0.000000e+00 : f32
    %broadcast_in_dim3A_226 = vector.broadcast %jit3A_225 : f32 to vector<8x2048xf32>
    %select_n3A_227 = arith.select %eq3A_224, %add3A_214, %broadcast_in_dim3A_226 : vector<8x2048xi1>, vector<8x2048xf32>
    %reduce_sum3A_228 = arith.constant dense<0.000000e+00> : vector<2048xf32>
    %reduce_sum3A_229 = vector.multi_reduction <add>, %select_n3A_227, %reduce_sum3A_228 [0] : vector<8x2048xf32> to vector<2048xf32>
    %broadcast_in_dim3A_230 = vector.shape_cast %reduce_sum3A_229 : vector<2048xf32> to vector<1x2048xf32>
    %concatenate3A_231 = tpu.concatenate %broadcast_in_dim3A_222, %broadcast_in_dim3A_230 in 0 : vector<1x2048xf32>, vector<1x2048xf32> -> vector<2x2048xf32>
    %convert_element_type3A_232 = arith.fptosi %concatenate3A_231 : vector<2x2048xf32> to vector<2x2048xi32>
    %swap3A = arith.constant 0 : index
    %swap3A_233 = arith.constant 0 : index
    %swap3A_234 = vector.load %arg3[%swap3A, %swap3A_233] : memref<2x2048xi32, #tpu.memory_space<vmem>>, vector<2x2048xi32>
    tpu.vector_store %arg3[%swap3A, %swap3A_233], %convert_element_type3A_232 {strides = array<i32>} : memref<2x2048xi32, #tpu.memory_space<vmem>>, vector<2x2048xi32>,
    %add3A_235 = arith.addf %dot_general3A_212, %mul3A_206 : vector<8x1xf32>
    %iota3A_236 = tpu.iota {dimensions = array<i32: 1>} : vector<1x64xi32>
    %convert_element_type3A_237 = arith.sitofp %iota3A_236 : vector<1x64xi32> to vector<1x64xf32>
    %mul3A_238 = arith.constant 2.560000e+02 : f32
    %mul3A_239 = vector.broadcast %mul3A_238 : f32 to vector<1x64xf32>
    %mul3A_240 = arith.mulf %convert_element_type3A_237, %mul3A_239 : vector<1x64xf32>
    %ge3A = vector.broadcast %mul3A_240 : vector<1x64xf32> to vector<8x64xf32>
    %ge3A_241 = vector.broadcast %add3A_235 : vector<8x1xf32> to vector<8x64xf32>
    %ge3A_242 = arith.cmpf oge, %ge3A, %ge3A_241 : vector<8x64xf32>
    %convert_element_type3A_243 = arith.extui %ge3A_242 : vector<8x64xi1> to vector<8x64xi32>
    %reduce_sum3A_244 = arith.constant dense<0> : vector<64xi32>
    %reduce_sum3A_245 = vector.multi_reduction <add>, %convert_element_type3A_243, %reduce_sum3A_244 [0] : vector<8x64xi32> to vector<64xi32>
    %broadcast_in_dim3A_246 = vector.shape_cast %reduce_sum3A_245 : vector<64xi32> to vector<1x64xi32>
    %min3A = arith.constant 7 : i32
    %min3A_247 = vector.broadcast %min3A : i32 to vector<1x64xi32>
    %min3A_248 = arith.minsi %broadcast_in_dim3A_246, %min3A_247 : vector<1x64xi32>
    %reduce_sum3A_249 = arith.constant dense<0.000000e+00> : vector<1xf32>
    %reduce_sum3A_250 = vector.multi_reduction <add>, %mul3A_206, %reduce_sum3A_249 [0] : vector<8x1xf32> to vector<1xf32>
    %broadcast_in_dim3A_251 = vector.shape_cast %reduce_sum3A_250 : vector<1xf32> to vector<1x1xf32>
    %lt3A_252 = vector.broadcast %broadcast_in_dim3A_251 : vector<1x1xf32> to vector<1x64xf32>
    %lt3A_253 = arith.cmpf olt, %mul3A_240, %lt3A_252 : vector<1x64xf32>
    %convert_element_type3A_254 = arith.extui %lt3A_253 : vector<1x64xi1> to vector<1x64xi32>
    %concatenate3A_255 = tpu.concatenate %min3A_248, %convert_element_type3A_254 in 0 : vector<1x64xi32>, vector<1x64xi32> -> vector<2x64xi32>
    %swap3A_256 = arith.constant 0 : index
    %swap3A_257 = arith.constant 0 : index
    %swap3A_258 = vector.load %arg4[%swap3A_256, %swap3A_257] : memref<2x64xi32, #tpu.memory_space<vmem>>, vector<2x64xi32>
    tpu.vector_store %arg4[%swap3A_256, %swap3A_257], %concatenate3A_255 {strides = array<i32>} : memref<2x64xi32, #tpu.memory_space<vmem>>, vector<2x64xi32>,
    %reduce_sum3A_259 = arith.constant dense<0.000000e+00> : vector<8xf32>
    %reduce_sum3A_260 = vector.multi_reduction <add>, %div3A_10, %reduce_sum3A_259 [1] : vector<8x2048xf32> to vector<8xf32>
    %broadcast_in_dim3A_261 = vector.shape_cast %reduce_sum3A_260 : vector<8xf32> to vector<8x1xf32>
    %div3A_262 = arith.constant 4.096000e+03 : f32
    %div3A_263 = vector.broadcast %div3A_262 : f32 to vector<8x1xf32>
    %div3A_264 = arith.divf %broadcast_in_dim3A_201, %div3A_263 : vector<8x1xf32>
    %div3A_265 = arith.constant 2.048000e+03 : f32
    %div3A_266 = vector.broadcast %div3A_265 : f32 to vector<8x1xf32>
    %div3A_267 = arith.divf %broadcast_in_dim3A_261, %div3A_266 : vector<8x1xf32>
    %mul3A_268 = arith.mulf %div3A_264, %div3A_267 : vector<8x1xf32>
    %reduce_sum3A_269 = vector.shape_cast %mul3A_268 : vector<8x1xf32> to vector<1x8x1xf32>
    %reduce_sum3A_270 = arith.constant dense<0.000000e+00> : vector<1xf32>
    %reduce_sum3A_271 = vector.multi_reduction <add>, %reduce_sum3A_269, %reduce_sum3A_270 [1, 2] : vector<1x8x1xf32> to vector<1xf32>
    %reduce_sum3A_272 = vector.shape_cast %reduce_sum3A_271 : vector<1xf32> to vector<1x1x1xf32>
    %reduce_sum3A_273 = vector.extract %reduce_sum3A_272[0, 0, 0] : f32 from vector<1x1x1xf32>
    %broadcast_in_dim3A_274 = vector.broadcast %reduce_sum3A_273 : f32 to vector<1x1xf32>
    %mul3A_275 = arith.constant 8.000000e+00 : f32
    %mul3A_276 = vector.broadcast %mul3A_275 : f32 to vector<1x1xf32>
    %mul3A_277 = arith.mulf %mul3A_276, %broadcast_in_dim3A_274 : vector<1x1xf32>
    %swap3A_278 = arith.constant 0 : index
    %swap3A_279 = arith.constant 0 : index
    %swap3A_280 = vector.load %arg5[%swap3A_278, %swap3A_279] : memref<1x1xf32, #tpu.memory_space<vmem>>, vector<1x1xf32>
    tpu.vector_store %arg5[%swap3A_278, %swap3A_279], %mul3A_277 {strides = array<i32>} : memref<1x1xf32, #tpu.memory_space<vmem>>, vector<1x1xf32>,
    return
  }
}

module attributes {stable_mosaic.version = 14 : i64} {
  func.func @_gmm_body(%arg0: i32, %arg1: memref<2x64xi32, #tpu.memory_space<smem>>, %arg2: memref<256x1024xf32, #tpu.memory_space<vmem>>, %arg3: memref<1x1024x512xf32, #tpu.memory_space<vmem>>, %arg4: memref<1x1024x512xf32, #tpu.memory_space<vmem>>, %arg5: memref<1x512x1024xf32, #tpu.memory_space<vmem>>, %arg6: memref<256x1024xf32, #tpu.memory_space<vmem>>) attributes {dimension_semantics = [#tpu.dimension_semantics<arbitrary>], iteration_bounds = array<i64: 24>, scalar_prefetch = 1 : i64, scratch_operands = 0 : i64, tpu.core_type = #tpu.core_type<tc>, window_params = [{transform_indices = @transform_0, window_bounds = array<i64: 256, 1024>}, {transform_indices = @transform_1, window_bounds = array<i64: 1, 1024, 512>}, {transform_indices = @transform_2, window_bounds = array<i64: 1, 1024, 512>}, {transform_indices = @transform_3, window_bounds = array<i64: 1, 512, 1024>}, {transform_indices = @transform_4, window_bounds = array<i64: 256, 1024>}]} {
    %get3A = arith.constant 1 : index
    %get3A_0 = arith.index_cast %arg0 : i32 to index
    %get3A_1 = memref.load %arg1[%get3A, %get3A_0] : memref<2x64xi32, #tpu.memory_space<smem>>
    %eq3A = arith.constant 1 : i32
    %eq3A_2 = arith.cmpi eq, %get3A_1, %eq3A : i32
    %convert_element_type3A = arith.extui %eq3A_2 : i1 to i32
    %cond3A = arith.constant 0 : i32
    %cond3A_3 = arith.cmpi ne, %convert_element_type3A, %cond3A : i32
    scf.if %cond3A_3 {
      %get3A_4 = arith.constant 0 : index
      %get3A_5 = arith.constant 0 : index
      %get3A_6 = vector.load %arg2[%get3A_4, %get3A_5] : memref<256x1024xf32, #tpu.memory_space<vmem>>, vector<256x1024xf32>
      %get3A_7 = arith.constant 0 : index
      %get3A_8 = arith.constant 0 : index
      %get3A_9 = arith.constant 0 : index
      %get3A_10 = vector.load %arg3[%get3A_7, %get3A_8, %get3A_9] : memref<1x1024x512xf32, #tpu.memory_space<vmem>>, vector<1x1024x512xf32>
      %get3A_11 = vector.shape_cast %get3A_10 : vector<1x1024x512xf32> to vector<1024x512xf32>
      %dot_general3A = arith.constant dense<0.000000e+00> : vector<256x512xf32>
      %dot_general3A_12 = tpu.matmul %get3A_6, %get3A_11, %dot_general3A {dimension_numbers = #tpu.dot_dimension_numbers<[1], [0], [0], [1], [0, 0, 1, 1], [], []>, transpose_lhs_hint = false} : vector<256x1024xf32>, vector<1024x512xf32>, vector<256x512xf32> -> vector<256x512xf32>
      %get3A_13 = arith.constant 0 : index
      %get3A_14 = arith.constant 0 : index
      %get3A_15 = arith.constant 0 : index
      %get3A_16 = vector.load %arg4[%get3A_13, %get3A_14, %get3A_15] : memref<1x1024x512xf32, #tpu.memory_space<vmem>>, vector<1x1024x512xf32>
      %get3A_17 = vector.shape_cast %get3A_16 : vector<1x1024x512xf32> to vector<1024x512xf32>
      %dot_general3A_18 = arith.constant dense<0.000000e+00> : vector<256x512xf32>
      %dot_general3A_19 = tpu.matmul %get3A_6, %get3A_17, %dot_general3A_18 {dimension_numbers = #tpu.dot_dimension_numbers<[1], [0], [0], [1], [0, 0, 1, 1], [], []>, transpose_lhs_hint = false} : vector<256x1024xf32>, vector<1024x512xf32>, vector<256x512xf32> -> vector<256x512xf32>
      %logistic3A = arith.negf %dot_general3A_12 : vector<256x512xf32>
      %logistic3A_20 = math.exp %logistic3A : vector<256x512xf32>
      %logistic3A_21 = arith.constant 1.000000e+00 : f32
      %logistic3A_22 = vector.broadcast %logistic3A_21 : f32 to vector<256x512xf32>
      %logistic3A_23 = arith.addf %logistic3A_22, %logistic3A_20 : vector<256x512xf32>
      %logistic3A_24 = arith.divf %logistic3A_22, %logistic3A_23 : vector<256x512xf32>
      %mul3A = arith.mulf %dot_general3A_12, %logistic3A_24 : vector<256x512xf32>
      %mul3A_25 = arith.mulf %mul3A, %dot_general3A_19 : vector<256x512xf32>
      %get3A_26 = arith.constant 0 : index
      %get3A_27 = arith.constant 0 : index
      %get3A_28 = arith.constant 0 : index
      %get3A_29 = vector.load %arg5[%get3A_26, %get3A_27, %get3A_28] : memref<1x512x1024xf32, #tpu.memory_space<vmem>>, vector<1x512x1024xf32>
      %get3A_30 = vector.shape_cast %get3A_29 : vector<1x512x1024xf32> to vector<512x1024xf32>
      %dot_general3A_31 = arith.constant dense<0.000000e+00> : vector<256x1024xf32>
      %dot_general3A_32 = tpu.matmul %mul3A_25, %get3A_30, %dot_general3A_31 {dimension_numbers = #tpu.dot_dimension_numbers<[1], [0], [0], [1], [0, 0, 1, 1], [], []>, transpose_lhs_hint = false} : vector<256x512xf32>, vector<512x1024xf32>, vector<256x1024xf32> -> vector<256x1024xf32>
      %swap3A = arith.constant 0 : index
      %swap3A_33 = arith.constant 0 : index
      %swap3A_34 = vector.load %arg6[%swap3A, %swap3A_33] : memref<256x1024xf32, #tpu.memory_space<vmem>>, vector<256x1024xf32>
      tpu.vector_store %arg6[%swap3A, %swap3A_33], %dot_general3A_32 {strides = array<i32>} : memref<256x1024xf32, #tpu.memory_space<vmem>>, vector<256x1024xf32>,
    } else {
    }
    return
  }
  func.func @transform_0(%arg0: i32, %arg1: memref<2x64xi32, #tpu.memory_space<smem>>) -> (i32, i32) {
    %c0_i32 = arith.constant 0 : i32
    %c0_i32_0 = arith.constant 0 : i32
    return %arg0, %c0_i32 : i32, i32
  }
  func.func @transform_1(%arg0: i32, %arg1: memref<2x64xi32, #tpu.memory_space<smem>>) -> (i32, i32, i32) {
    %get3A = arith.constant 0 : index
    %get3A_0 = arith.index_cast %arg0 : i32 to index
    %get3A_1 = memref.load %arg1[%get3A, %get3A_0] : memref<2x64xi32, #tpu.memory_space<smem>>
    %c0_i32 = arith.constant 0 : i32
    %c0_i32_2 = arith.constant 0 : i32
    %c0_i32_3 = arith.constant 0 : i32
    return %get3A_1, %c0_i32, %c0_i32_2 : i32, i32, i32
  }
  func.func @transform_2(%arg0: i32, %arg1: memref<2x64xi32, #tpu.memory_space<smem>>) -> (i32, i32, i32) {
    %get3A = arith.constant 0 : index
    %get3A_0 = arith.index_cast %arg0 : i32 to index
    %get3A_1 = memref.load %arg1[%get3A, %get3A_0] : memref<2x64xi32, #tpu.memory_space<smem>>
    %c0_i32 = arith.constant 0 : i32
    %c0_i32_2 = arith.constant 0 : i32
    %c0_i32_3 = arith.constant 0 : i32
    return %get3A_1, %c0_i32, %c0_i32_2 : i32, i32, i32
  }
  func.func @transform_3(%arg0: i32, %arg1: memref<2x64xi32, #tpu.memory_space<smem>>) -> (i32, i32, i32) {
    %get3A = arith.constant 0 : index
    %get3A_0 = arith.index_cast %arg0 : i32 to index
    %get3A_1 = memref.load %arg1[%get3A, %get3A_0] : memref<2x64xi32, #tpu.memory_space<smem>>
    %c0_i32 = arith.constant 0 : i32
    %c0_i32_2 = arith.constant 0 : i32
    %c0_i32_3 = arith.constant 0 : i32
    return %get3A_1, %c0_i32, %c0_i32_2 : i32, i32, i32
  }
  func.func @transform_4(%arg0: i32, %arg1: memref<2x64xi32, #tpu.memory_space<smem>>) -> (i32, i32) {
    %c0_i32 = arith.constant 0 : i32
    %c0_i32_0 = arith.constant 0 : i32
    return %arg0, %c0_i32 : i32, i32
  }
}

module attributes {stable_mosaic.version = 14 : i64} {
  func.func @_combine_body(%arg0: i32, %arg1: memref<256x1024xf32, #tpu.memory_space<vmem>>, %arg2: memref<1024x8xf32, #tpu.memory_space<vmem>>, %arg3: memref<256x1024xf32, #tpu.memory_space<vmem>>, %arg4: memref<256x1024xf32, #tpu.memory_space<vmem>>, %arg5: memref<1024x512xf32, #tpu.memory_space<vmem>>, %arg6: memref<1024x512xf32, #tpu.memory_space<vmem>>, %arg7: memref<512x1024xf32, #tpu.memory_space<vmem>>, %arg8: memref<1024x1xf32, #tpu.memory_space<vmem>>, %arg9: memref<256x1024xf32, #tpu.memory_space<vmem>>) attributes {dimension_semantics = [#tpu.dimension_semantics<arbitrary>], iteration_bounds = array<i64: 8>, scalar_prefetch = 0 : i64, scratch_operands = 0 : i64, tpu.core_type = #tpu.core_type<tc>, window_params = [{transform_indices = @transform_0, window_bounds = array<i64: 256, 1024>}, {pipeline_mode = #tpu.pipeline_mode<synchronous>, transform_indices = @transform_1, window_bounds = array<i64: 1024, 8>}, {transform_indices = @transform_2, window_bounds = array<i64: 256, 1024>}, {transform_indices = @transform_3, window_bounds = array<i64: 256, 1024>}, {pipeline_mode = #tpu.pipeline_mode<synchronous>, transform_indices = @transform_4, window_bounds = array<i64: 1024, 512>}, {pipeline_mode = #tpu.pipeline_mode<synchronous>, transform_indices = @transform_5, window_bounds = array<i64: 1024, 512>}, {pipeline_mode = #tpu.pipeline_mode<synchronous>, transform_indices = @transform_6, window_bounds = array<i64: 512, 1024>}, {pipeline_mode = #tpu.pipeline_mode<synchronous>, transform_indices = @transform_7, window_bounds = array<i64: 1024, 1>}, {transform_indices = @transform_8, window_bounds = array<i64: 256, 1024>}]} {
    %get3A = arith.constant 0 : index
    %get3A_0 = arith.constant 0 : index
    %get3A_1 = vector.load %arg1[%get3A, %get3A_0] : memref<256x1024xf32, #tpu.memory_space<vmem>>, vector<256x1024xf32>
    %get3A_2 = arith.constant 0 : index
    %get3A_3 = arith.constant 0 : index
    %get3A_4 = vector.load %arg2[%get3A_2, %get3A_3] : memref<1024x8xf32, #tpu.memory_space<vmem>>, vector<1024x8xf32>
    %dot_general3A = arith.constant dense<0.000000e+00> : vector<256x8xf32>
    %dot_general3A_5 = tpu.matmul %get3A_1, %get3A_4, %dot_general3A {dimension_numbers = #tpu.dot_dimension_numbers<[1], [0], [0], [1], [0, 0, 1, 1], [], []>, transpose_lhs_hint = false} : vector<256x1024xf32>, vector<1024x8xf32>, vector<256x8xf32> -> vector<256x8xf32>
    %reduce_max3A = arith.constant dense<0xFF800000> : vector<256xf32>
    %reduce_max3A_6 = vector.multi_reduction <maximumf>, %dot_general3A_5, %reduce_max3A [1] : vector<256x8xf32> to vector<256xf32>
    %broadcast_in_dim3A = vector.shape_cast %reduce_max3A_6 : vector<256xf32> to vector<256x1xf32>
    %sub3A = vector.broadcast %broadcast_in_dim3A : vector<256x1xf32> to vector<256x8xf32>
    %sub3A_7 = arith.subf %dot_general3A_5, %sub3A : vector<256x8xf32>
    %exp3A = math.exp %sub3A_7 : vector<256x8xf32>
    %reduce_sum3A = arith.constant dense<0.000000e+00> : vector<256xf32>
    %reduce_sum3A_8 = vector.multi_reduction <add>, %exp3A, %reduce_sum3A [1] : vector<256x8xf32> to vector<256xf32>
    %broadcast_in_dim3A_9 = vector.shape_cast %reduce_sum3A_8 : vector<256xf32> to vector<256x1xf32>
    %div3A = vector.broadcast %broadcast_in_dim3A_9 : vector<256x1xf32> to vector<256x8xf32>
    %div3A_10 = arith.divf %exp3A, %div3A : vector<256x8xf32>
    %iota3A = tpu.iota {dimensions = array<i32: 1>} : vector<256x8xi32>
    %reduce_max3A_11 = arith.constant dense<0xFF800000> : vector<256xf32>
    %reduce_max3A_12 = vector.multi_reduction <maximumf>, %div3A_10, %reduce_max3A_11 [1] : vector<256x8xf32> to vector<256xf32>
    %broadcast_in_dim3A_13 = vector.shape_cast %reduce_max3A_12 : vector<256xf32> to vector<256x1xf32>
    %eq3A = vector.broadcast %broadcast_in_dim3A_13 : vector<256x1xf32> to vector<256x8xf32>
    %eq3A_14 = arith.cmpf oeq, %div3A_10, %eq3A : vector<256x8xf32>
    %jit3A = arith.constant 8 : i32
    %broadcast_in_dim3A_15 = vector.broadcast %jit3A : i32 to vector<256x8xi32>
    %select_n3A = arith.select %eq3A_14, %iota3A, %broadcast_in_dim3A_15 : vector<256x8xi1>, vector<256x8xi32>
    %reduce_min3A = arith.constant dense<2147483647> : vector<256xi32>
    %reduce_min3A_16 = vector.multi_reduction <minsi>, %select_n3A, %reduce_min3A [1] : vector<256x8xi32> to vector<256xi32>
    %broadcast_in_dim3A_17 = vector.shape_cast %reduce_min3A_16 : vector<256xi32> to vector<256x1xi32>
    %eq3A_18 = vector.broadcast %broadcast_in_dim3A_17 : vector<256x1xi32> to vector<256x8xi32>
    %eq3A_19 = arith.cmpi eq, %iota3A, %eq3A_18 : vector<256x8xi32>
    %jit3A_20 = arith.constant 0xFF800000 : f32
    %broadcast_in_dim3A_21 = vector.broadcast %jit3A_20 : f32 to vector<256x8xf32>
    %select_n3A_22 = arith.select %eq3A_19, %broadcast_in_dim3A_21, %div3A_10 : vector<256x8xi1>, vector<256x8xf32>
    %reduce_max3A_23 = arith.constant dense<0xFF800000> : vector<256xf32>
    %reduce_max3A_24 = vector.multi_reduction <maximumf>, %select_n3A_22, %reduce_max3A_23 [1] : vector<256x8xf32> to vector<256xf32>
    %broadcast_in_dim3A_25 = vector.shape_cast %reduce_max3A_24 : vector<256xf32> to vector<256x1xf32>
    %add3A = arith.addf %broadcast_in_dim3A_13, %broadcast_in_dim3A_25 : vector<256x1xf32>
    %div3A_26 = arith.divf %broadcast_in_dim3A_13, %add3A : vector<256x1xf32>
    %div3A_27 = arith.divf %broadcast_in_dim3A_25, %add3A : vector<256x1xf32>
    %get3A_28 = arith.constant 0 : index
    %get3A_29 = arith.constant 0 : index
    %get3A_30 = vector.load %arg5[%get3A_28, %get3A_29] : memref<1024x512xf32, #tpu.memory_space<vmem>>, vector<1024x512xf32>
    %dot_general3A_31 = arith.constant dense<0.000000e+00> : vector<256x512xf32>
    %dot_general3A_32 = tpu.matmul %get3A_1, %get3A_30, %dot_general3A_31 {dimension_numbers = #tpu.dot_dimension_numbers<[1], [0], [0], [1], [0, 0, 1, 1], [], []>, transpose_lhs_hint = false} : vector<256x1024xf32>, vector<1024x512xf32>, vector<256x512xf32> -> vector<256x512xf32>
    %get3A_33 = arith.constant 0 : index
    %get3A_34 = arith.constant 0 : index
    %get3A_35 = vector.load %arg6[%get3A_33, %get3A_34] : memref<1024x512xf32, #tpu.memory_space<vmem>>, vector<1024x512xf32>
    %dot_general3A_36 = arith.constant dense<0.000000e+00> : vector<256x512xf32>
    %dot_general3A_37 = tpu.matmul %get3A_1, %get3A_35, %dot_general3A_36 {dimension_numbers = #tpu.dot_dimension_numbers<[1], [0], [0], [1], [0, 0, 1, 1], [], []>, transpose_lhs_hint = false} : vector<256x1024xf32>, vector<1024x512xf32>, vector<256x512xf32> -> vector<256x512xf32>
    %logistic3A = arith.negf %dot_general3A_32 : vector<256x512xf32>
    %logistic3A_38 = math.exp %logistic3A : vector<256x512xf32>
    %logistic3A_39 = arith.constant 1.000000e+00 : f32
    %logistic3A_40 = vector.broadcast %logistic3A_39 : f32 to vector<256x512xf32>
    %logistic3A_41 = arith.addf %logistic3A_40, %logistic3A_38 : vector<256x512xf32>
    %logistic3A_42 = arith.divf %logistic3A_40, %logistic3A_41 : vector<256x512xf32>
    %mul3A = arith.mulf %dot_general3A_32, %logistic3A_42 : vector<256x512xf32>
    %mul3A_43 = arith.mulf %mul3A, %dot_general3A_37 : vector<256x512xf32>
    %get3A_44 = arith.constant 0 : index
    %get3A_45 = arith.constant 0 : index
    %get3A_46 = vector.load %arg7[%get3A_44, %get3A_45] : memref<512x1024xf32, #tpu.memory_space<vmem>>, vector<512x1024xf32>
    %dot_general3A_47 = arith.constant dense<0.000000e+00> : vector<256x1024xf32>
    %dot_general3A_48 = tpu.matmul %mul3A_43, %get3A_46, %dot_general3A_47 {dimension_numbers = #tpu.dot_dimension_numbers<[1], [0], [0], [1], [0, 0, 1, 1], [], []>, transpose_lhs_hint = false} : vector<256x512xf32>, vector<512x1024xf32>, vector<256x1024xf32> -> vector<256x1024xf32>
    %get3A_49 = arith.constant 0 : index
    %get3A_50 = arith.constant 0 : index
    %get3A_51 = vector.load %arg8[%get3A_49, %get3A_50] : memref<1024x1xf32, #tpu.memory_space<vmem>>, vector<1024x1xf32>
    %dot_general3A_52 = arith.constant dense<0.000000e+00> : vector<256x1xf32>
    %dot_general3A_53 = tpu.matmul %get3A_1, %get3A_51, %dot_general3A_52 {dimension_numbers = #tpu.dot_dimension_numbers<[1], [0], [0], [1], [0, 0, 1, 1], [], []>, transpose_lhs_hint = false} : vector<256x1024xf32>, vector<1024x1xf32>, vector<256x1xf32> -> vector<256x1xf32>
    %logistic3A_54 = arith.negf %dot_general3A_53 : vector<256x1xf32>
    %logistic3A_55 = math.exp %logistic3A_54 : vector<256x1xf32>
    %logistic3A_56 = arith.constant 1.000000e+00 : f32
    %logistic3A_57 = vector.broadcast %logistic3A_56 : f32 to vector<256x1xf32>
    %logistic3A_58 = arith.addf %logistic3A_57, %logistic3A_55 : vector<256x1xf32>
    %logistic3A_59 = arith.divf %logistic3A_57, %logistic3A_58 : vector<256x1xf32>
    %get3A_60 = arith.constant 0 : index
    %get3A_61 = arith.constant 0 : index
    %get3A_62 = vector.load %arg3[%get3A_60, %get3A_61] : memref<256x1024xf32, #tpu.memory_space<vmem>>, vector<256x1024xf32>
    %mul3A_63 = vector.broadcast %div3A_26 : vector<256x1xf32> to vector<256x1024xf32>
    %mul3A_64 = arith.mulf %mul3A_63, %get3A_62 : vector<256x1024xf32>
    %get3A_65 = arith.constant 0 : index
    %get3A_66 = arith.constant 0 : index
    %get3A_67 = vector.load %arg4[%get3A_65, %get3A_66] : memref<256x1024xf32, #tpu.memory_space<vmem>>, vector<256x1024xf32>
    %mul3A_68 = vector.broadcast %div3A_27 : vector<256x1xf32> to vector<256x1024xf32>
    %mul3A_69 = arith.mulf %mul3A_68, %get3A_67 : vector<256x1024xf32>
    %add3A_70 = arith.addf %mul3A_64, %mul3A_69 : vector<256x1024xf32>
    %mul3A_71 = vector.broadcast %logistic3A_59 : vector<256x1xf32> to vector<256x1024xf32>
    %mul3A_72 = arith.mulf %mul3A_71, %dot_general3A_48 : vector<256x1024xf32>
    %add3A_73 = arith.addf %add3A_70, %mul3A_72 : vector<256x1024xf32>
    %swap3A = arith.constant 0 : index
    %swap3A_74 = arith.constant 0 : index
    %swap3A_75 = vector.load %arg9[%swap3A, %swap3A_74] : memref<256x1024xf32, #tpu.memory_space<vmem>>, vector<256x1024xf32>
    tpu.vector_store %arg9[%swap3A, %swap3A_74], %add3A_73 {strides = array<i32>} : memref<256x1024xf32, #tpu.memory_space<vmem>>, vector<256x1024xf32>,
    return
  }
  func.func @transform_0(%arg0: i32) -> (i32, i32) {
    %c0_i32 = arith.constant 0 : i32
    %c0_i32_0 = arith.constant 0 : i32
    return %arg0, %c0_i32 : i32, i32
  }
  func.func @transform_1(%arg0: i32) -> (i32, i32) {
    %c0_i32 = arith.constant 0 : i32
    %c0_i32_0 = arith.constant 0 : i32
    %c0_i32_1 = arith.constant 0 : i32
    return %c0_i32, %c0_i32_0 : i32, i32
  }
  func.func @transform_2(%arg0: i32) -> (i32, i32) {
    %c0_i32 = arith.constant 0 : i32
    %c0_i32_0 = arith.constant 0 : i32
    return %arg0, %c0_i32 : i32, i32
  }
  func.func @transform_3(%arg0: i32) -> (i32, i32) {
    %c0_i32 = arith.constant 0 : i32
    %c0_i32_0 = arith.constant 0 : i32
    return %arg0, %c0_i32 : i32, i32
  }
  func.func @transform_4(%arg0: i32) -> (i32, i32) {
    %c0_i32 = arith.constant 0 : i32
    %c0_i32_0 = arith.constant 0 : i32
    %c0_i32_1 = arith.constant 0 : i32
    return %c0_i32, %c0_i32_0 : i32, i32
  }
  func.func @transform_5(%arg0: i32) -> (i32, i32) {
    %c0_i32 = arith.constant 0 : i32
    %c0_i32_0 = arith.constant 0 : i32
    %c0_i32_1 = arith.constant 0 : i32
    return %c0_i32, %c0_i32_0 : i32, i32
  }
  func.func @transform_6(%arg0: i32) -> (i32, i32) {
    %c0_i32 = arith.constant 0 : i32
    %c0_i32_0 = arith.constant 0 : i32
    %c0_i32_1 = arith.constant 0 : i32
    return %c0_i32, %c0_i32_0 : i32, i32
  }
  func.func @transform_7(%arg0: i32) -> (i32, i32) {
    %c0_i32 = arith.constant 0 : i32
    %c0_i32_0 = arith.constant 0 : i32
    %c0_i32_1 = arith.constant 0 : i32
    return %c0_i32, %c0_i32_0 : i32, i32
  }
  func.func @transform_8(%arg0: i32) -> (i32, i32) {
    %c0_i32 = arith.constant 0 : i32
    %c0_i32_0 = arith.constant 0 : i32
    return %arg0, %c0_i32 : i32, i32
  }
}

</mosaic_0001>

<sc_bundles>
// kernel: _moe.10.cloned.1.call-start
scs
__scs_entry_jumppad:
0x0: {  	(pc) =	sbr.rel $0x88, $3  }
0x1: {  	(tag) =	ssettag $0x0;
	lr =	simm.s32 $0x1  }
0x2: {  	[smem:$0x3F98] =	sst lr;
	_ =	strace $0xD0000000  }
0x3: {  	_ = 	snop  }
0x4: {  	_ = 	snop  }
0x5: {  	_ = 	snop  }
0x6: {  	_ = 	snop  }
0x7: {  	_ = 	snop  }
__scs_overlays_trampoline_lowered:
0x8: {  	[smem:$0x3FA7] =	sst s0  }
0x9: {  	[smem:$0x3FA8] =	sst s1  }
0xa: {  	[smem:$0x3FA9] =	sst s2  }
0xb: {  	[smem:$0x3FAA] =	sst s3  }
0xc: {  	[smem:$0x3FAB] =	sst s4  }
0xd: {  	[smem:$0x3FAC] =	sst s5  }
0xe: {  	[smem:$0x3FAD] =	sst s6  }
0xf: {  	[smem:$0x3FAE] =	sst s7  }
0x10: {  	[smem:$0x3FAF] =	sst s8  }
0x11: {  	[smem:$0x3FB0] =	sst s9;
	s0 =	simm.s32 @!p0 $0x0  }
0x12: {  	s1 =	sld [smem:$0x3F96];
	s0 =	simm.s32 @p0 $0x1  }
0x13: {  	[smem:$0x3FB1] =	sst s0;
	s0 =	simm.s32 @!p1 $0x0  }
0x14: {  	s2 =	sld [smem:$0x3F95];
	s0 =	simm.s32 @p1 $0x1  }
0x15: {  	[smem:$0x3FB2] =	sst s0;
	s0 =	simm.s32 @!p2 $0x0  }
0x16: {  	s3 =	sld [smem:$0x3FDB];
	s0 =	simm.s32 @p2 $0x1  }
0x17: {  	s4 =	simm.s32 $0x1BF5;
	[smem:$0x3FB4] =	sst s0  }
0x18: {  	s0 =	sld [smem:$0x3F97];
	_ =	swait.ge [sflag:s4], $0x0  }
0x19: {  	s7 =	sld [smem:$0x3F98]  }
0x1a: {  	s8 =	sadd.s32 $0xFFFFE003, lr  }
0x1b: {  	s9 =	sadd.s32 $0xFFFFFEF7, lr;
	s5 =	simm.s32 $0xFFFFFFFF;
	p2 =	slt.u32 s8, $0xFFFFF086  }
0x1c: {  	p1 =	slt.u32 s9, $0xF7A;
	s5 =	simm.s32 @!p2 $0x0  }
0x1d: {  	s5 =	simm.s32 @p1 $0x1;
	p0 =	seq.s32 s7, s2  }
0x1e: {  	s7 =	smul.u32 @!p0 $0xF7A, s2;
	p2 =	seq.s32 @!p0 s5, $0x0  }
0x1f: {  	s9 =	smul.u32 $0xF7A, s1;
	s8 =	simm.s32 @!p0 $0x1BF5;
	p2 =	por !p2, p0  }
0x20: {  	[sflag:s8] =	ssyncset.s32 @!p0 $0xFFFFF086;
	s6 =	sadd.s32 @!p0 s3, s7;
	s7 =	simm.s32 @!p0 $0x108  }
0x21: {  	s3 =	sadd.s32 s3, s9;
	s6 =	sadd.s32 @!p0 $0x88, s6;
	s7 =	simm.s32 @p2 $0x1082  }
0x22: {  	[simem:s7], [sflag:s8] =	dma.local @!p0 [hbm:s6], $0xF7A  }
0x23: {  	s9 =	sor.u32 $0xD0000000, s2;
	s6 =	simm.s32 $0x108;
	_ =	swait.ge @!p0 [sflag:s8], $0x0  }
0x24: {  	s3 =	sadd.s32 $0x88, s3;
	s6 =	simm.s32 @!p1 $0x1082;
	[sflag:s4] =	ssyncset.s32 $0xFFFFF086  }
0x25: {  	[simem:s6], [sflag:s4] =	dma.local [hbm:s3], $0xF7A  }
0x26: {  	[smem:$0x3F98] =	sst s1;
	(tag) =	ssettag s2;
	_ =	strace s9  }
0x27: {  	s1 =	sld [smem:$0x3FA8]  }
0x28: {  	s2 =	sld [smem:$0x3FA9]  }
0x29: {  	s4 =	sld [smem:$0x3FAB]  }
0x2a: {  	p0 =	seq.s32 s5, $0x0;
	s5 =	sld [smem:$0x3FAC]  }
0x2b: {  	s6 =	sld [smem:$0x3FAD]  }
0x2c: {  	s7 =	sld [smem:$0x3FAE]  }
0x2d: {  	s3 =	simm.s32 $0x108;
	s8 =	sld [smem:$0x3FAF]  }
0x2e: {  	s3 =	simm.s32 @!p0 $0x1082;
	s9 =	sld [smem:$0x3FB0]  }
0x2f: {  	lr =	sadd.s32 s0, s3;
	s0 =	sld [smem:$0x3FA7]  }
0x30: {  	s3 =	sld [smem:$0x3FAA]  }
0x31: {  	[smem:$0x3FB3] =	sst s10  }
0x32: {  	s10 =	sld [smem:$0x3FB1];
	_ =	sdelay $0x3  }
0x33: {  	p0 =	seq.s32 s10, $0x1;
	s10 =	sld [smem:$0x3FB3];
	_ =	sdelay $0x3  }
0x34: {  	[smem:$0x3FB3] =	sst s10  }
0x35: {  	s10 =	sld [smem:$0x3FB2];
	_ =	sdelay $0x3  }
0x36: {  	p1 =	seq.s32 s10, $0x1;
	s10 =	sld [smem:$0x3FB3];
	_ =	sdelay $0x3  }
0x37: {  	[smem:$0x3FB3] =	sst s10  }
0x38: {  	s10 =	sld [smem:$0x3FB4]  }
0x39: {  	_ = 	snop;
	(pc) =	sbr.ind lr, $3  }
0x3a: {  	_ = 	snop  }
0x3b: {  	_ = 	snop  }
0x3c: {  	p2 =	seq.s32 s10, $0x1;
	s10 =	sld [smem:$0x3FB3]  }
0x3d: {  	_ =	shalt  }
0x3e: {  	_ =	shalt  }
0x3f: {  	_ =	shalt  }
0x40: {  	_ =	shalt  }
0x41: {  	_ =	shalt  }
0x42: {  	_ =	shalt  }
0x43: {  	_ =	shalt  }
0x44: {  	_ =	shalt  }
0x45: {  	_ =	shalt  }
0x46: {  	_ =	shalt  }
0x47: {  	_ =	shalt  }
0x48: {  	_ =	shalt  }
0x49: {  	_ =	shalt  }
0x4a: {  	_ =	shalt  }
0x4b: {  	_ =	shalt  }
0x4c: {  	_ =	shalt  }
0x4d: {  	_ =	shalt  }
0x4e: {  	_ =	shalt  }
0x4f: {  	_ =	shalt  }
0x50: {  	_ =	shalt  }
0x51: {  	_ =	shalt  }
0x52: {  	_ =	shalt  }
0x53: {  	_ =	shalt  }
0x54: {  	_ =	shalt  }
0x55: {  	_ =	shalt  }
0x56: {  	_ =	shalt  }
0x57: {  	_ =	shalt  }
0x58: {  	_ =	shalt  }
0x59: {  	_ =	shalt  }
0x5a: {  	_ =	shalt  }
0x5b: {  	_ =	shalt  }
0x5c: {  	_ =	shalt  }
0x5d: {  	_ =	shalt  }
0x5e: {  	_ =	shalt  }
0x5f: {  	_ =	shalt  }
0x60: {  	_ =	shalt  }
0x61: {  	_ =	shalt  }
0x62: {  	_ =	shalt  }
0x63: {  	_ =	shalt  }
0x64: {  	_ =	shalt  }
0x65: {  	_ =	shalt  }
0x66: {  	_ =	shalt  }
0x67: {  	_ =	shalt  }
0x68: {  	_ =	shalt  }
0x69: {  	_ =	shalt  }
0x6a: {  	_ =	shalt  }
0x6b: {  	_ =	shalt  }
0x6c: {  	_ =	shalt  }
0x6d: {  	_ =	shalt  }
0x6e: {  	_ =	shalt  }
0x6f: {  	_ =	shalt  }
0x70: {  	_ =	shalt  }
0x71: {  	_ =	shalt  }
0x72: {  	_ =	shalt  }
0x73: {  	_ =	shalt  }
0x74: {  	_ =	shalt  }
0x75: {  	_ =	shalt  }
0x76: {  	_ =	shalt  }
0x77: {  	_ =	shalt  }
0x78: {  	_ =	shalt  }
0x79: {  	_ =	shalt  }
0x7a: {  	_ =	shalt  }
0x7b: {  	_ =	shalt  }
0x7c: {  	_ =	shalt  }
0x7d: {  	_ =	shalt  }
0x7e: {  	_ =	shalt  }
0x7f: {  	_ =	shalt  }
0x80: {  	_ =	shalt  }
0x81: {  	_ =	shalt  }
0x82: {  	_ =	shalt  }
0x83: {  	_ =	shalt  }
0x84: {  	_ =	shalt  }
0x85: {  	_ =	shalt  }
0x86: {  	_ =	shalt  }
0x87: {  	_ =	shalt  }
.Lfunc_end0:
.L_simem_size_0:
called_computation.1_lowered:
.L_overlay_start_0:
0x88: {  	s2 =	sld [smem:$0x3FD9]  }
0x89: {  	s3 =	sld [smem:$0x3FFE];
	_ =	sdelay $0x1  }
0x8a: {  	s1 =	srdreg.scid  }
0x8b: {  	s0 =	sand.u32 $0x1, s1  }
0x8c: {  	s14 =	sshll.u32 s0, $0xA;
	s2 =	sadd.s32 s3, s2  }
0x8d: {  	s2 =	sadd.s32 s2, s14  }
0x8e: {  	[smem:$0x3FBF] =	sst s2  }
0x8f: {  	_ = 	snop  }
0x90: {  	s2 =	sld [smem:$0x3FD0];
	_ =	sdelay $0x2  }
0x91: {  	s15 =	simm.s32 $0xA;
	s4 =	simm.s32 $0x10  }
0x92: {  	[smem:s4], [sflag:s15] =	dma.local [hbm:s2], $0x1  }
0x93: {  	_ =	swait.eq [sflag:s15], $0x1  }
0x94: {  	[sflag:s15] =	ssyncset.done $0x0  }
0x95: {  	[sflag:s15] =	ssyncadd.s32 $0xFFFFFFFF  }
0x96: {  	s16 =	sld [smem:$0x10];
	(tm) =	ssettm $0x1  }
0x97: {  	s17 =	sld [smem:$0x3FFB];
	_ =	sdelay $0x3  }
0x98: {  	_ =	strace s17  }
0x99: {  	s3 =	sld [smem:$0x3FFC];
	_ =	sdelay $0x3  }
0x9a: {  	_ =	strace s3  }
0x9b: {  	s3 =	sld [smem:$0x3FFD];
	_ =	sdelay $0x3  }
0x9c: {  	_ =	strace s3  }
0x9d: {  	_ =	strace $0x8FFFFFFF  }
0x9e: {  	s18 =	sld [smem:$0x3FDB];
	_ =	sdelay $0x1  }
0x9f: {  	s19 =	simm.s32 $_scs_section_size  }
0xa0: {  	s5 =	simm.s32 $_size__tile_overlayer_lowered;
	s6 =	simm.s32 $_tile_overlayer_lowered  }
0xa1: {  	s22 =	simm.s32 $0x1BFF;
	s21 =	sshll.u32 s6, $0x1;
	s3 =	sadd.s32 s19, s18  }
0xa2: {  	s7 =	simm.s32 $0x0;
	s20 =	sshll.u32 s5, $0x1;
	s5 =	sadd.s32 s21, s3  }
0xa3: {  	[timem:s7], [sflag:s22] =	dma.local [hbm:s5], s20  }
0xa4: {  	_ =	swait.ge [sflag:s22], s20  }
0xa5: {  	s4 =	ssub.s32 $0x0, s20;
	[sflag:s22] =	ssyncset.done $0x0  }
0xa6: {  	[sflag:s22] =	ssyncadd.s32 s4;
	_ =	sdelay $0x1  }
0xa7: {  	s23 =	simm.s32 $0x1B8B  }
0xa8: {  	_ =	swait.ge [sflag:s23], $0x1  }
0xa9: {  	[sflag:s23] =	ssyncset.done $0x0  }
0xaa: {  	s25 =	simm.s32 $0x1B8E;
	s24 =	sld [smem:$0x3FFE];
	[sflag:s23] =	ssyncadd.s32 $0xFFFFFFFF  }
0xab: {  	s26 =	simm.s32 $execute0_lowered;
	[smem:$0x3FD2] =	sst s25  }
0xac: {  	s5 =	sshll.u32 s26, $0x1;
	_ =	strace $0x80000049;
	[dreg:$0x1] =	wrdreg $0xFFFFFFFF  }
0xad: {  	s28 =	simm.s32 $_size_execute0_lowered;
	s3 =	sadd.s32 s3, s5;
	[dreg:$0x0] =	wrdreg $0x0  }
0xae: {  	s5 =	sshll.u32 s28, $0x1;
	[dreg:$0x2] =	wrdreg s3  }
0xaf: {  	[dreg:$0x3] =	wrdreg s5  }
0xb0: {  	[dreg:$0x4] =	wrdreg $0xC0  }
0xb1: {  	_ =	task [dreg:s7], $0x5FFFF  }
0xb2: {  	[dreg:$0x1] =	wrdreg $0xFFFFFFFF  }
0xb3: {  	[dreg:$0x0] =	wrdreg $0x60  }
0xb4: {  	[dreg:$0x2] =	wrdreg s24  }
0xb5: {  	[dreg:$0x3] =	wrdreg s16  }
0xb6: {  	[dreg:$0x4] =	wrdreg $0x9  }
0xb7: {  	_ =	task.clear_ibuf [dreg:s7], $0x5FFFF;
	_ =	strace $0x90000049  }
0xb8: {  	s29 =	simm.s32 $0x9;
	_ =	strace $0x8000004B  }
0xb9: {  	_ =	swait.ge [sflag:s29], $0x1  }
0xba: {  	[sflag:s29] =	ssyncadd.s32 $0xFFFFFFFF  }
0xbb: {  	_ =	strace $0x9000004B  }
0xbc: {  	_ =	sfence  }
0xbd: {  	s30 =	sld [smem:$0x0];
	_ =	sdelay $0x2  }
0xbe: {  	s31 =	sshll.u32 s1, $0xD;
	s1 =	sshrl.u32 s1, $0x2  }
0xbf: {  	s3 =	sand.u32 $0x4000, s31;
	s1 =	sadd.s32 s1, s30  }
0xc0: {  	s0 =	sor.u32 s3, s0;
	s1 =	sshll.u32 s1, $0x11  }
0xc1: {  	s0 =	sor.u32 s1, s0  }
0xc2: {  	s0 =	sadd.s32 $0x8F2B, s0  }
0xc3: {  	[sflag:s0] =	ssyncadd.remote.s32 $0x1  }
0xc4: {  	_ =	sfence.sel $0xFFFF  }
0xc5: {  	[dreg:$0x0] =	wrdreg $0xFFFFFFFF;
	(pc) =	sbr.abs _section_cstart, $3  }
0xc6: {  	[dreg:$0x1] =	wrdreg $0xFFFFFFFF  }
0xc7: {  	_ =	task.clear_ibuf [dreg:s7], $0x2FFFF;
	_ =	strace $0x9FFFFFFF  }
0xc8: {  	(tm) =	ssettm $0x7FFFFFFF  }
0xc9: {  	_ =	shalt  }
tec
execute0_lowered:
.L_overlay_start_1:
0x0: {  	(tag) =	ssettag $0x1  }
0x1: {  	s0 =	srdreg.scid  }
0x2: {  	s1 =	rddreg [dreg:$0x0];
	s2 =	stileid.u32  }
0x3: {  	s4 =	rddreg [dreg:$0x1];
	s26 =	simm.s32 $0x80;
	s20 =	simm.s32 $0x3  }
0x4: {  	s28 =	simm.s32 $0x3100;
	s29 =	simm.s32 $0x3900;
	s30 =	simm.s32 $0x4100  }
0x5: {  	s31 =	simm.s32 $0x4900;
	s11 =	simm.s32 $0x6100;
	s12 =	simm.s32 $0x6900  }
0x6: {  	s13 =	simm.s32 $0x7100;
	s14 =	simm.s32 $0x7900;
	s15 =	simm.s32 $0x8100  }
0x7: {  	s16 =	simm.s32 $0x8900;
	s17 =	simm.s32 $0x9100;
	s18 =	simm.s32 $0x9900  }
0x8: {  	s19 =	simm.s32 $0xA100;
	s10 =	simm.s32 $0xB100;
	s0 =	sand.u32 $0x1, s0  }
0x9: {  	s3 =	sshll.u32 s2, $0x7;
	s2 =	simm.s32 $0x0;
	s5 =	sshll.u32 s0, $0x6  }
0xa: {  	[smem:$0x7FF] =	sst s2;
	s0 =	ssub.s32 $0x2, s0;
	s6 =	sor.u32 s5, s3  }
0xb: {  	_ =	strace $0x8000004A;
	s3 =	sadd.s32 $0xC3400, s1;
	s22 =	sshrl.u32 s0, $0x1  }
0xc: {  	[dreg:$0x7] =	wrdreg s26;
	s26 =	simm.s32 $0x2900;
	s7 =	sshll.u32 s6, $0x1  }
0xd: {  	s6 =	sshll.u32 s6, $0x7;
	s0 =	ssub.s32 s0, s22;
	s8 =	sand.u32 $0xF00, s7  }
0xe: {  	s23 =	sadd.s32 s6, s1;
	s6 =	sadd.s32 $0xC3700, s1;
	s8 =	sor.u32 s5, s8  }
0xf: {  	s5 =	sor.u32 s5, s7;
	s24 =	sadd.s32 $0x3400, s23;
	s25 =	sadd.s32 $0x43400, s23  }
0x10: {  	s21 =	sshrl.u32 s8, $0x3;
	s5 =	sshrl.u32 s5, $0x3;
	[dreg:$0x5] =	wrdreg s24  }
0x11: {  	[dreg:$0x6] =	wrdreg s25;
	s8 =	simm.s32 $0x1;
	s24 =	simm.s32 $0x1900  }
0x12: {  	v2 =	vlaneseq.u32;
	s25 =	simm.s32 $0x2100;
	s7 =	sadd.s32 s4, s21;
	s5 =	sor.u32 $0x10, s5  }
0x13: {  	vm0 =	vmmov $0xffff;
	v1 =	vshrl.u32 v2, $0x3;
	[dreg:$0x3] =	wrdreg s7;
	s4 =	sadd.s32 s4, s5;
	s5 =	sadd.s32 $0xC3600, s1  }
0x14: {  	v0 =	vand.u32 $0x7, v2;
	v2 =	vor.u32 $0x8, v2;
	v1 =	vmul.u32 $0x8, v1;
	s7 =	smax.u32 s0, $0x1;
	[dreg:$0x4] =	wrdreg s4;
	s4 =	sadd.s32 $0xC3500, s1  }
.LBB2_1:
0x15: {  	s21 =	rddreg [dreg:$0x3]  }
0x16: {  	s22 =	rddreg [dreg:$0x4]  }
0x17: {  	[tilespmem:s2], [sflag:$0x1] =	stream.linear.gather [hbm4b:s21+s2], $0x40, $0x38;
	[tilespmem:$0x10100] =	vst v63  }
0x18: {  	s23 =	rddreg [dreg:$0x7]  }
0x19: {  	[tilespmem:s23], [sflag:$0x2] =	stream.linear.gather [hbm4b:s22+s2], $0x40, $0x38;
	[tilespmem:$0x10100] =	vst v63  }
0x1a: {  	_ =	swait.ge [sflag:s8], $0x40  }
0x1b: {  	[sflag:s8] =	ssyncset.done $0x0  }
0x1c: {  	s0 =	simm.s32 $0x2;
	[sflag:s8] =	ssyncadd.s32 $0xFFFFFFC0  }
0x1d: {  	_ =	swait.ge [sflag:s0], $0x40  }
0x1e: {  	[sflag:s0] =	ssyncset.done $0x0  }
0x1f: {  	[sflag:s0] =	ssyncadd.s32 $0xFFFFFFC0  }
0x20: {  	v3 =	vld [tilespmem:$0x0];
	_ =	sdelay $0x4  }
0x21: {  	v4 =	vshll.u32 v3, $0x3  }
0x22: {  	v3 =	vand.u32 $0x7, v3;
	v4 =	vand.u32 $0xFFFFFFC0, v4  }
0x23: {  	v3 =	vor.u32 v3, v4  }
0x24: {  	v4 =	vperm.xlane v3, v0;
	_ =	sdelay $0x1  }
0x25: {  	v4 =	vadd.s32 v1, v4;
	_ =	sdelay $0x3  }
0x26: {  	s0 =	simm.s32 $0x100  }
0x27: {  	[tilespmem:s0], [sflag:$0x1] =	stream.indirect_vreg.gather [hbm4b:s3+s2], $0x80, v4, vm0, $0xb8;
	[tilespmem:$0x10100] =	vst v63  }
0x28: {  	s22 =	simm.s32 $0x900;
	v3 =	vperm.xlane v3, v2  }
0x29: {  	[tilespmem:s22], [sflag:$0x1] =	stream.indirect_vreg.gather [hbm4b:s4+s2], $0x80, v4, vm0, $0xb8;
	[tilespmem:$0x10100] =	vst v63  }
0x2a: {  	s23 =	simm.s32 $0x1100;
	v3 =	vadd.s32 v1, v3  }
0x2b: {  	[tilespmem:s23], [sflag:$0x1] =	stream.indirect_vreg.gather [hbm4b:s5+s2], $0x80, v4, vm0, $0xb8;
	[tilespmem:$0x10100] =	vst v63  }
0x2c: {  	_ = 	snop  }
0x2d: {  	[tilespmem:s24], [sflag:$0x1] =	stream.indirect_vreg.gather [hbm4b:s6+s2], $0x80, v4, vm0, $0xb8;
	[tilespmem:$0x10100] =	vst v63  }
0x2e: {  	_ = 	snop  }
0x2f: {  	[tilespmem:s25], [sflag:$0x1] =	stream.indirect_vreg.gather [hbm4b:s3+s2], $0x80, v3, vm0, $0xb8;
	[tilespmem:$0x10100] =	vst v63  }
0x30: {  	_ = 	snop  }
0x31: {  	[tilespmem:s26], [sflag:$0x1] =	stream.indirect_vreg.gather [hbm4b:s4+s2], $0x80, v3, vm0, $0xb8;
	[tilespmem:$0x10100] =	vst v63  }
0x32: {  	_ = 	snop  }
0x33: {  	[tilespmem:s28], [sflag:$0x1] =	stream.indirect_vreg.gather [hbm4b:s5+s2], $0x80, v3, vm0, $0xb8;
	[tilespmem:$0x10100] =	vst v63  }
0x34: {  	_ = 	snop  }
0x35: {  	[tilespmem:s29], [sflag:$0x1] =	stream.indirect_vreg.gather [hbm4b:s6+s2], $0x80, v3, vm0, $0xb8;
	[tilespmem:$0x10100] =	vst v63  }
0x36: {  	v3 =	vld [tilespmem:$0x10];
	_ =	sdelay $0x4  }
0x37: {  	v57 =	vshll.u32 v3, $0x3  }
0x38: {  	v3 =	vand.u32 $0x7, v3;
	v4 =	vand.u32 $0xFFFFFFC0, v57  }
0x39: {  	v3 =	vor.u32 v3, v4  }
0x3a: {  	v4 =	vperm.xlane v3, v0;
	_ =	sdelay $0x1  }
0x3b: {  	v4 =	vadd.s32 v1, v4;
	_ =	sdelay $0x4  }
0x3c: {  	[tilespmem:s30], [sflag:$0x1] =	stream.indirect_vreg.gather [hbm4b:s3+s2], $0x80, v4, vm0, $0xb8;
	[tilespmem:$0x10100] =	vst v63  }
0x3d: {  	v3 =	vperm.xlane v3, v2  }
0x3e: {  	[tilespmem:s31], [sflag:$0x1] =	stream.indirect_vreg.gather [hbm4b:s4+s2], $0x80, v4, vm0, $0xb8;
	[tilespmem:$0x10100] =	vst v63  }
0x3f: {  	s1 =	simm.s32 $0x5100;
	v3 =	vadd.s32 v1, v3  }
0x40: {  	[tilespmem:s1], [sflag:$0x1] =	stream.indirect_vreg.gather [hbm4b:s5+s2], $0x80, v4, vm0, $0xb8;
	[tilespmem:$0x10100] =	vst v63  }
0x41: {  	s9 =	simm.s32 $0x5900  }
0x42: {  	[tilespmem:s9], [sflag:$0x1] =	stream.indirect_vreg.gather [hbm4b:s6+s2], $0x80, v4, vm0, $0xb8;
	[tilespmem:$0x10100] =	vst v63  }
0x43: {  	_ = 	snop  }
0x44: {  	[tilespmem:s11], [sflag:$0x1] =	stream.indirect_vreg.gather [hbm4b:s3+s2], $0x80, v3, vm0, $0xb8;
	[tilespmem:$0x10100] =	vst v63  }
0x45: {  	_ = 	snop  }
0x46: {  	[tilespmem:s12], [sflag:$0x1] =	stream.indirect_vreg.gather [hbm4b:s4+s2], $0x80, v3, vm0, $0xb8;
	[tilespmem:$0x10100] =	vst v63  }
0x47: {  	_ = 	snop  }
0x48: {  	[tilespmem:s13], [sflag:$0x1] =	stream.indirect_vreg.gather [hbm4b:s5+s2], $0x80, v3, vm0, $0xb8;
	[tilespmem:$0x10100] =	vst v63  }
0x49: {  	_ = 	snop  }
0x4a: {  	[tilespmem:s14], [sflag:$0x1] =	stream.indirect_vreg.gather [hbm4b:s6+s2], $0x80, v3, vm0, $0xb8;
	[tilespmem:$0x10100] =	vst v63  }
0x4b: {  	v3 =	vld [tilespmem:$0x20];
	_ =	sdelay $0x4  }
0x4c: {  	v58 =	vshll.u32 v3, $0x3  }
0x4d: {  	v3 =	vand.u32 $0x7, v3;
	v4 =	vand.u32 $0xFFFFFFC0, v58  }
0x4e: {  	v3 =	vor.u32 v3, v4  }
0x4f: {  	v4 =	vperm.xlane v3, v0;
	_ =	sdelay $0x1  }
0x50: {  	v4 =	vadd.s32 v1, v4;
	_ =	sdelay $0x4  }
0x51: {  	[tilespmem:s15], [sflag:$0x1] =	stream.indirect_vreg.gather [hbm4b:s3+s2], $0x80, v4, vm0, $0xb8;
	[tilespmem:$0x10100] =	vst v63  }
0x52: {  	v3 =	vperm.xlane v3, v2  }
0x53: {  	[tilespmem:s16], [sflag:$0x1] =	stream.indirect_vreg.gather [hbm4b:s4+s2], $0x80, v4, vm0, $0xb8;
	[tilespmem:$0x10100] =	vst v63  }
0x54: {  	v3 =	vadd.s32 v1, v3  }
0x55: {  	[tilespmem:s17], [sflag:$0x1] =	stream.indirect_vreg.gather [hbm4b:s5+s2], $0x80, v4, vm0, $0xb8;
	[tilespmem:$0x10100] =	vst v63  }
0x56: {  	_ = 	snop  }
0x57: {  	[tilespmem:s18], [sflag:$0x1] =	stream.indirect_vreg.gather [hbm4b:s6+s2], $0x80, v4, vm0, $0xb8;
	[tilespmem:$0x10100] =	vst v63  }
0x58: {  	_ = 	snop  }
0x59: {  	[tilespmem:s19], [sflag:$0x1] =	stream.indirect_vreg.gather [hbm4b:s3+s2], $0x80, v3, vm0, $0xb8;
	[tilespmem:$0x10100] =	vst v63  }
0x5a: {  	s9 =	simm.s32 $0xA900  }
0x5b: {  	[tilespmem:s9], [sflag:$0x1] =	stream.indirect_vreg.gather [hbm4b:s4+s2], $0x80, v3, vm0, $0xb8;
	[tilespmem:$0x10100] =	vst v63  }
0x5c: {  	_ = 	snop  }
0x5d: {  	[tilespmem:s10], [sflag:$0x1] =	stream.indirect_vreg.gather [hbm4b:s5+s2], $0x80, v3, vm0, $0xb8;
	[tilespmem:$0x10100] =	vst v63  }
0x5e: {  	s21 =	simm.s32 $0xB900  }
0x5f: {  	[tilespmem:s21], [sflag:$0x1] =	stream.indirect_vreg.gather [hbm4b:s6+s2], $0x80, v3, vm0, $0xb8;
	[tilespmem:$0x10100] =	vst v63  }
0x60: {  	v3 =	vld [tilespmem:$0x30];
	_ =	sdelay $0x4  }
0x61: {  	v59 =	vshll.u32 v3, $0x3  }
0x62: {  	v3 =	vand.u32 $0x7, v3;
	v4 =	vand.u32 $0xFFFFFFC0, v59  }
0x63: {  	v3 =	vor.u32 v3, v4  }
0x64: {  	v4 =	vperm.xlane v3, v0;
	_ =	sdelay $0x1  }
0x65: {  	v4 =	vadd.s32 v1, v4;
	_ =	sdelay $0x3  }
0x66: {  	s21 =	simm.s32 $0xC100  }
0x67: {  	[tilespmem:s21], [sflag:$0x1] =	stream.indirect_vreg.gather [hbm4b:s3+s2], $0x80, v4, vm0, $0xb8;
	[tilespmem:$0x10100] =	vst v63  }
0x68: {  	v3 =	vperm.xlane v3, v2;
	s21 =	simm.s32 $0xC900  }
0x69: {  	[tilespmem:s21], [sflag:$0x1] =	stream.indirect_vreg.gather [hbm4b:s4+s2], $0x80, v4, vm0, $0xb8;
	[tilespmem:$0x10100] =	vst v63  }
0x6a: {  	v3 =	vadd.s32 v1, v3;
	s21 =	simm.s32 $0xD100  }
0x6b: {  	[tilespmem:s21], [sflag:$0x1] =	stream.indirect_vreg.gather [hbm4b:s5+s2], $0x80, v4, vm0, $0xb8;
	[tilespmem:$0x10100] =	vst v63  }
0x6c: {  	s21 =	simm.s32 $0xD900  }
0x6d: {  	[tilespmem:s21], [sflag:$0x1] =	stream.indirect_vreg.gather [hbm4b:s6+s2], $0x80, v4, vm0, $0xb8;
	[tilespmem:$0x10100] =	vst v63  }
0x6e: {  	s21 =	simm.s32 $0xE100  }
0x6f: {  	[tilespmem:s21], [sflag:$0x1] =	stream.indirect_vreg.gather [hbm4b:s3+s2], $0x80, v3, vm0, $0xb8;
	[tilespmem:$0x10100] =	vst v63  }
0x70: {  	s21 =	simm.s32 $0xE900  }
0x71: {  	[tilespmem:s21], [sflag:$0x1] =	stream.indirect_vreg.gather [hbm4b:s4+s2], $0x80, v3, vm0, $0xb8;
	[tilespmem:$0x10100] =	vst v63  }
0x72: {  	s21 =	simm.s32 $0xF100  }
0x73: {  	[tilespmem:s21], [sflag:$0x1] =	stream.indirect_vreg.gather [hbm4b:s5+s2], $0x80, v3, vm0, $0xb8;
	[tilespmem:$0x10100] =	vst v63  }
0x74: {  	s21 =	simm.s32 $0xF900  }
0x75: {  	[tilespmem:s21], [sflag:$0x1] =	stream.indirect_vreg.gather [hbm4b:s6+s2], $0x80, v3, vm0, $0xb8;
	[tilespmem:$0x10100] =	vst v63  }
0x76: {  	_ =	swait.ge [sflag:s8], $0x10000  }
0x77: {  	[sflag:s8] =	ssyncset.done $0x0  }
0x78: {  	s21 =	rddreg [dreg:$0x5];
	[sflag:s8] =	ssyncadd.s32 $0xFFFF0000  }
0x79: {  	[hbm4b:s21+s2] =	stream.linear.scatter [tilespmem:s0], [sflag:$0x3], $0x10000, $0x38;
	[tilespmem:$0x10100] =	vst v63  }
0x7a: {  	_ =	swait.ge [sflag:s20], $0x10000  }
0x7b: {  	[sflag:s20] =	ssyncset.done $0x0  }
0x7c: {  	[sflag:s20] =	ssyncadd.s32 $0xFFFF0000  }
0x7d: {  	v3 =	vld [tilespmem:$0x80];
	_ =	sdelay $0x4  }
0x7e: {  	v60 =	vshll.u32 v3, $0x3  }
0x7f: {  	v3 =	vand.u32 $0x7, v3;
	v4 =	vand.u32 $0xFFFFFFC0, v60  }
0x80: {  	v3 =	vor.u32 v3, v4  }
0x81: {  	v4 =	vperm.xlane v3, v0;
	_ =	sdelay $0x1  }
0x82: {  	v4 =	vadd.s32 v1, v4;
	_ =	sdelay $0x4  }
0x83: {  	[tilespmem:s0], [sflag:$0x1] =	stream.indirect_vreg.gather [hbm4b:s3+s2], $0x80, v4, vm0, $0xb8;
	[tilespmem:$0x10100] =	vst v63  }
0x84: {  	v3 =	vperm.xlane v3, v2  }
0x85: {  	[tilespmem:s22], [sflag:$0x1] =	stream.indirect_vreg.gather [hbm4b:s4+s2], $0x80, v4, vm0, $0xb8;
	[tilespmem:$0x10100] =	vst v63  }
0x86: {  	v3 =	vadd.s32 v1, v3  }
0x87: {  	[tilespmem:s23], [sflag:$0x1] =	stream.indirect_vreg.gather [hbm4b:s5+s2], $0x80, v4, vm0, $0xb8;
	[tilespmem:$0x10100] =	vst v63  }
0x88: {  	_ = 	snop  }
0x89: {  	[tilespmem:s24], [sflag:$0x1] =	stream.indirect_vreg.gather [hbm4b:s6+s2], $0x80, v4, vm0, $0xb8;
	[tilespmem:$0x10100] =	vst v63  }
0x8a: {  	_ = 	snop  }
0x8b: {  	[tilespmem:s25], [sflag:$0x1] =	stream.indirect_vreg.gather [hbm4b:s3+s2], $0x80, v3, vm0, $0xb8;
	[tilespmem:$0x10100] =	vst v63  }
0x8c: {  	_ = 	snop  }
0x8d: {  	[tilespmem:s26], [sflag:$0x1] =	stream.indirect_vreg.gather [hbm4b:s4+s2], $0x80, v3, vm0, $0xb8;
	[tilespmem:$0x10100] =	vst v63  }
0x8e: {  	_ = 	snop  }
0x8f: {  	[tilespmem:s28], [sflag:$0x1] =	stream.indirect_vreg.gather [hbm4b:s5+s2], $0x80, v3, vm0, $0xb8;
	[tilespmem:$0x10100] =	vst v63  }
0x90: {  	_ = 	snop  }
0x91: {  	[tilespmem:s29], [sflag:$0x1] =	stream.indirect_vreg.gather [hbm4b:s6+s2], $0x80, v3, vm0, $0xb8;
	[tilespmem:$0x10100] =	vst v63  }
0x92: {  	v3 =	vld [tilespmem:$0x90];
	_ =	sdelay $0x4  }
0x93: {  	v61 =	vshll.u32 v3, $0x3  }
0x94: {  	v3 =	vand.u32 $0x7, v3;
	v4 =	vand.u32 $0xFFFFFFC0, v61  }
0x95: {  	v3 =	vor.u32 v3, v4  }
0x96: {  	v4 =	vperm.xlane v3, v0;
	_ =	sdelay $0x1  }
0x97: {  	v4 =	vadd.s32 v1, v4;
	_ =	sdelay $0x4  }
0x98: {  	[tilespmem:s30], [sflag:$0x1] =	stream.indirect_vreg.gather [hbm4b:s3+s2], $0x80, v4, vm0, $0xb8;
	[tilespmem:$0x10100] =	vst v63  }
0x99: {  	v3 =	vperm.xlane v3, v2  }
0x9a: {  	[tilespmem:s31], [sflag:$0x1] =	stream.indirect_vreg.gather [hbm4b:s4+s2], $0x80, v4, vm0, $0xb8;
	[tilespmem:$0x10100] =	vst v63  }
0x9b: {  	v3 =	vadd.s32 v1, v3  }
0x9c: {  	[tilespmem:s1], [sflag:$0x1] =	stream.indirect_vreg.gather [hbm4b:s5+s2], $0x80, v4, vm0, $0xb8;
	[tilespmem:$0x10100] =	vst v63  }
0x9d: {  	s21 =	simm.s32 $0x5900  }
0x9e: {  	[tilespmem:s21], [sflag:$0x1] =	stream.indirect_vreg.gather [hbm4b:s6+s2], $0x80, v4, vm0, $0xb8;
	[tilespmem:$0x10100] =	vst v63  }
0x9f: {  	_ = 	snop  }
0xa0: {  	[tilespmem:s11], [sflag:$0x1] =	stream.indirect_vreg.gather [hbm4b:s3+s2], $0x80, v3, vm0, $0xb8;
	[tilespmem:$0x10100] =	vst v63  }
0xa1: {  	_ = 	snop  }
0xa2: {  	[tilespmem:s12], [sflag:$0x1] =	stream.indirect_vreg.gather [hbm4b:s4+s2], $0x80, v3, vm0, $0xb8;
	[tilespmem:$0x10100] =	vst v63  }
0xa3: {  	_ = 	snop  }
0xa4: {  	[tilespmem:s13], [sflag:$0x1] =	stream.indirect_vreg.gather [hbm4b:s5+s2], $0x80, v3, vm0, $0xb8;
	[tilespmem:$0x10100] =	vst v63  }
0xa5: {  	_ = 	snop  }
0xa6: {  	[tilespmem:s14], [sflag:$0x1] =	stream.indirect_vreg.gather [hbm4b:s6+s2], $0x80, v3, vm0, $0xb8;
	[tilespmem:$0x10100] =	vst v63  }
0xa7: {  	v3 =	vld [tilespmem:$0xA0];
	_ =	sdelay $0x4  }
0xa8: {  	v62 =	vshll.u32 v3, $0x3  }
0xa9: {  	v3 =	vand.u32 $0x7, v3;
	v4 =	vand.u32 $0xFFFFFFC0, v62  }
0xaa: {  	v3 =	vor.u32 v3, v4  }
0xab: {  	v4 =	vperm.xlane v3, v0;
	_ =	sdelay $0x1  }
0xac: {  	v4 =	vadd.s32 v1, v4;
	_ =	sdelay $0x4  }
0xad: {  	[tilespmem:s15], [sflag:$0x1] =	stream.indirect_vreg.gather [hbm4b:s3+s2], $0x80, v4, vm0, $0xb8;
	[tilespmem:$0x10100] =	vst v63  }
0xae: {  	v3 =	vperm.xlane v3, v2  }
0xaf: {  	[tilespmem:s16], [sflag:$0x1] =	stream.indirect_vreg.gather [hbm4b:s4+s2], $0x80, v4, vm0, $0xb8;
	[tilespmem:$0x10100] =	vst v63  }
0xb0: {  	v3 =	vadd.s32 v1, v3  }
0xb1: {  	[tilespmem:s17], [sflag:$0x1] =	stream.indirect_vreg.gather [hbm4b:s5+s2], $0x80, v4, vm0, $0xb8;
	[tilespmem:$0x10100] =	vst v63  }
0xb2: {  	_ = 	snop  }
0xb3: {  	[tilespmem:s18], [sflag:$0x1] =	stream.indirect_vreg.gather [hbm4b:s6+s2], $0x80, v4, vm0, $0xb8;
	[tilespmem:$0x10100] =	vst v63  }
0xb4: {  	_ = 	snop  }
0xb5: {  	[tilespmem:s19], [sflag:$0x1] =	stream.indirect_vreg.gather [hbm4b:s3+s2], $0x80, v3, vm0, $0xb8;
	[tilespmem:$0x10100] =	vst v63  }
0xb6: {  	_ = 	snop  }
0xb7: {  	[tilespmem:s9], [sflag:$0x1] =	stream.indirect_vreg.gather [hbm4b:s4+s2], $0x80, v3, vm0, $0xb8;
	[tilespmem:$0x10100] =	vst v63  }
0xb8: {  	_ = 	snop  }
0xb9: {  	[tilespmem:s10], [sflag:$0x1] =	stream.indirect_vreg.gather [hbm4b:s5+s2], $0x80, v3, vm0, $0xb8;
	[tilespmem:$0x10100] =	vst v63  }
0xba: {  	s22 =	simm.s32 $0xB900  }
0xbb: {  	[tilespmem:s22], [sflag:$0x1] =	stream.indirect_vreg.gather [hbm4b:s6+s2], $0x80, v3, vm0, $0xb8;
	[tilespmem:$0x10100] =	vst v63  }
0xbc: {  	v3 =	vld [tilespmem:$0xB0];
	_ =	sdelay $0x4  }
0xbd: {  	v63 =	vshll.u32 v3, $0x3  }
0xbe: {  	v3 =	vand.u32 $0x7, v3;
	v4 =	vand.u32 $0xFFFFFFC0, v63  }
0xbf: {  	v3 =	vor.u32 v3, v4  }
0xc0: {  	v4 =	vperm.xlane v3, v0;
	_ =	sdelay $0x1  }
0xc1: {  	v4 =	vadd.s32 v1, v4;
	_ =	sdelay $0x3  }
0xc2: {  	s23 =	simm.s32 $0xC100  }
0xc3: {  	[tilespmem:s23], [sflag:$0x1] =	stream.indirect_vreg.gather [hbm4b:s3+s2], $0x80, v4, vm0, $0xb8;
	[tilespmem:$0x10100] =	vst v63  }
0xc4: {  	s9 =	simm.s32 $0xC900;
	v3 =	vperm.xlane v3, v2  }
0xc5: {  	[tilespmem:s9], [sflag:$0x1] =	stream.indirect_vreg.gather [hbm4b:s4+s2], $0x80, v4, vm0, $0xb8;
	[tilespmem:$0x10100] =	vst v63  }
0xc6: {  	s21 =	simm.s32 $0xD100;
	v3 =	vadd.s32 v1, v3  }
0xc7: {  	[tilespmem:s21], [sflag:$0x1] =	stream.indirect_vreg.gather [hbm4b:s5+s2], $0x80, v4, vm0, $0xb8;
	[tilespmem:$0x10100] =	vst v63  }
0xc8: {  	s22 =	simm.s32 $0xD900  }
0xc9: {  	[tilespmem:s22], [sflag:$0x1] =	stream.indirect_vreg.gather [hbm4b:s6+s2], $0x80, v4, vm0, $0xb8;
	[tilespmem:$0x10100] =	vst v63  }
0xca: {  	s23 =	simm.s32 $0xE100  }
0xcb: {  	[tilespmem:s23], [sflag:$0x1] =	stream.indirect_vreg.gather [hbm4b:s3+s2], $0x80, v3, vm0, $0xb8;
	[tilespmem:$0x10100] =	vst v63  }
0xcc: {  	s9 =	simm.s32 $0xE900  }
0xcd: {  	[tilespmem:s9], [sflag:$0x1] =	stream.indirect_vreg.gather [hbm4b:s4+s2], $0x80, v3, vm0, $0xb8;
	[tilespmem:$0x10100] =	vst v63  }
0xce: {  	s21 =	simm.s32 $0xF100  }
0xcf: {  	[tilespmem:s21], [sflag:$0x1] =	stream.indirect_vreg.gather [hbm4b:s5+s2], $0x80, v3, vm0, $0xb8;
	[tilespmem:$0x10100] =	vst v63  }
0xd0: {  	s22 =	simm.s32 $0xF900  }
0xd1: {  	[tilespmem:s22], [sflag:$0x1] =	stream.indirect_vreg.gather [hbm4b:s6+s2], $0x80, v3, vm0, $0xb8;
	[tilespmem:$0x10100] =	vst v63  }
0xd2: {  	_ =	swait.ge [sflag:s8], $0x10000  }
0xd3: {  	p0 =	sne.s32 s7, $0x1;
	[sflag:s8] =	ssyncset.done $0x0  }
.Ltmp0:
0xd4: {  	s23 =	rddreg [dreg:$0x6];
	[sflag:s8] =	ssyncadd.s32 $0xFFFF0000;
	(pc) =	sbr.rel @p0 .LBB2_1-.Ltmp0, $4  }
0xd5: {  	[hbm4b:s23+s2] =	stream.linear.scatter [tilespmem:s0], [sflag:$0x3], $0x10000, $0x38;
	[tilespmem:$0x10100] =	vst v63  }
0xd6: {  	_ =	swait.ge [sflag:s20], $0x10000  }
0xd7: {  	[sflag:s20] =	ssyncset.done $0x0  }
0xd8: {  	s7 =	sadd.s32 $0xFFFFFFFF, s7;
	[sflag:s20] =	ssyncadd.s32 $0xFFFF0000  }
0xd9: {  	_ =	sfence.sel $0x180000  }
0xda: {  	[bflag:$0x0] =	sbarrier.arrive $0xFFFF  }
0xdb: {  	_ =	strace $0x9000004A  }
0xdc: {  	s0 =	stileid.u32;
	[bflag:$0x2] =	sbarrier.arrive $0xFFFF  }
0xdd: {  	p0 =	sne.s32 s0, $0x0;
	s0 =	rddreg [dreg:$0x2]  }
0xde: {  	s0 =	sadd.s32 @!p0 $0x100000, s0  }
0xdf: {  	[sflag:s0] =	ssyncadd.tile.s32 @!p0 $0x1;
	_ =	shalt  }
.Lfunc_end2:
_tile_overlayer_lowered:
.L_overlay_start_2:
0xe0: {  	(tag) =	ssettag $0x2  }
0xe1: {  	s0 =	rddreg [dreg:$0x0];
	s2 =	stileid.u32  }
0xe2: {  	s1 =	rddreg [dreg:$0x1];
	p0 =	sne.s32 s2, $0x0  }
0xe3: {  	s3 =	rddreg [dreg:$0x2];
	[bflag:$0x3] =	sbarrier.arrive $0xFFFF;
	s2 =	simm.s32 @!p0 $0x1C03  }
0xe4: {  	[timem:s3], [sflag:s2] =	dma.local @!p0 [hbm:s0], s1  }
0xe5: {  	s0 =	simm.s32 @!p0 $0x3  }
0xe6: {  	_ =	swait.ge @!p0 [sflag:s0], s1  }
0xe7: {  	s1 =	ssub.s32 @!p0 $0x0, s1;
	[sflag:s0] =	ssyncset.done @!p0 $0x0  }
0xe8: {  	[sflag:s0] =	ssyncadd.s32 @!p0 s1  }
0xe9: {  	[bflag:$0x3] =	sbarrier.arrive $0xFFFF  }
0xea: {  	_ =	shalt  }

// kernel: _moe.7.cloned.1.call-start
scs
__scs_entry_jumppad:
0x0: {  	(pc) =	sbr.rel $0x88, $3  }
0x1: {  	(tag) =	ssettag $0x0;
	lr =	simm.s32 $0x1  }
0x2: {  	[smem:$0x3F98] =	sst lr;
	_ =	strace $0xD0000000  }
0x3: {  	_ = 	snop  }
0x4: {  	_ = 	snop  }
0x5: {  	_ = 	snop  }
0x6: {  	_ = 	snop  }
0x7: {  	_ = 	snop  }
__scs_overlays_trampoline_lowered:
0x8: {  	[smem:$0x3FA7] =	sst s0  }
0x9: {  	[smem:$0x3FA8] =	sst s1  }
0xa: {  	[smem:$0x3FA9] =	sst s2  }
0xb: {  	[smem:$0x3FAA] =	sst s3  }
0xc: {  	[smem:$0x3FAB] =	sst s4  }
0xd: {  	[smem:$0x3FAC] =	sst s5  }
0xe: {  	[smem:$0x3FAD] =	sst s6  }
0xf: {  	[smem:$0x3FAE] =	sst s7  }
0x10: {  	[smem:$0x3FAF] =	sst s8  }
0x11: {  	[smem:$0x3FB0] =	sst s9;
	s0 =	simm.s32 @!p0 $0x0  }
0x12: {  	s1 =	sld [smem:$0x3F96];
	s0 =	simm.s32 @p0 $0x1  }
0x13: {  	[smem:$0x3FB1] =	sst s0;
	s0 =	simm.s32 @!p1 $0x0  }
0x14: {  	s2 =	sld [smem:$0x3F95];
	s0 =	simm.s32 @p1 $0x1  }
0x15: {  	[smem:$0x3FB2] =	sst s0;
	s0 =	simm.s32 @!p2 $0x0  }
0x16: {  	s3 =	sld [smem:$0x3FDB];
	s0 =	simm.s32 @p2 $0x1  }
0x17: {  	s4 =	simm.s32 $0x1BF5;
	[smem:$0x3FB4] =	sst s0  }
0x18: {  	s0 =	sld [smem:$0x3F97];
	_ =	swait.ge [sflag:s4], $0x0  }
0x19: {  	s7 =	sld [smem:$0x3F98]  }
0x1a: {  	s8 =	sadd.s32 $0xFFFFE003, lr  }
0x1b: {  	s9 =	sadd.s32 $0xFFFFFEF7, lr;
	s5 =	simm.s32 $0xFFFFFFFF;
	p2 =	slt.u32 s8, $0xFFFFF086  }
0x1c: {  	p1 =	slt.u32 s9, $0xF7A;
	s5 =	simm.s32 @!p2 $0x0  }
0x1d: {  	s5 =	simm.s32 @p1 $0x1;
	p0 =	seq.s32 s7, s2  }
0x1e: {  	s7 =	smul.u32 @!p0 $0xF7A, s2;
	p2 =	seq.s32 @!p0 s5, $0x0  }
0x1f: {  	s9 =	smul.u32 $0xF7A, s1;
	s8 =	simm.s32 @!p0 $0x1BF5;
	p2 =	por !p2, p0  }
0x20: {  	[sflag:s8] =	ssyncset.s32 @!p0 $0xFFFFF086;
	s6 =	sadd.s32 @!p0 s3, s7;
	s7 =	simm.s32 @!p0 $0x108  }
0x21: {  	s3 =	sadd.s32 s3, s9;
	s6 =	sadd.s32 @!p0 $0x88, s6;
	s7 =	simm.s32 @p2 $0x1082  }
0x22: {  	[simem:s7], [sflag:s8] =	dma.local @!p0 [hbm:s6], $0xF7A  }
0x23: {  	s9 =	sor.u32 $0xD0000000, s2;
	s6 =	simm.s32 $0x108;
	_ =	swait.ge @!p0 [sflag:s8], $0x0  }
0x24: {  	s3 =	sadd.s32 $0x88, s3;
	s6 =	simm.s32 @!p1 $0x1082;
	[sflag:s4] =	ssyncset.s32 $0xFFFFF086  }
0x25: {  	[simem:s6], [sflag:s4] =	dma.local [hbm:s3], $0xF7A  }
0x26: {  	[smem:$0x3F98] =	sst s1;
	(tag) =	ssettag s2;
	_ =	strace s9  }
0x27: {  	s1 =	sld [smem:$0x3FA8]  }
0x28: {  	s2 =	sld [smem:$0x3FA9]  }
0x29: {  	s4 =	sld [smem:$0x3FAB]  }
0x2a: {  	p0 =	seq.s32 s5, $0x0;
	s5 =	sld [smem:$0x3FAC]  }
0x2b: {  	s6 =	sld [smem:$0x3FAD]  }
0x2c: {  	s7 =	sld [smem:$0x3FAE]  }
0x2d: {  	s3 =	simm.s32 $0x108;
	s8 =	sld [smem:$0x3FAF]  }
0x2e: {  	s3 =	simm.s32 @!p0 $0x1082;
	s9 =	sld [smem:$0x3FB0]  }
0x2f: {  	lr =	sadd.s32 s0, s3;
	s0 =	sld [smem:$0x3FA7]  }
0x30: {  	s3 =	sld [smem:$0x3FAA]  }
0x31: {  	[smem:$0x3FB3] =	sst s10  }
0x32: {  	s10 =	sld [smem:$0x3FB1];
	_ =	sdelay $0x3  }
0x33: {  	p0 =	seq.s32 s10, $0x1;
	s10 =	sld [smem:$0x3FB3];
	_ =	sdelay $0x3  }
0x34: {  	[smem:$0x3FB3] =	sst s10  }
0x35: {  	s10 =	sld [smem:$0x3FB2];
	_ =	sdelay $0x3  }
0x36: {  	p1 =	seq.s32 s10, $0x1;
	s10 =	sld [smem:$0x3FB3];
	_ =	sdelay $0x3  }
0x37: {  	[smem:$0x3FB3] =	sst s10  }
0x38: {  	s10 =	sld [smem:$0x3FB4]  }
0x39: {  	_ = 	snop;
	(pc) =	sbr.ind lr, $3  }
0x3a: {  	_ = 	snop  }
0x3b: {  	_ = 	snop  }
0x3c: {  	p2 =	seq.s32 s10, $0x1;
	s10 =	sld [smem:$0x3FB3]  }
0x3d: {  	_ =	shalt  }
0x3e: {  	_ =	shalt  }
0x3f: {  	_ =	shalt  }
0x40: {  	_ =	shalt  }
0x41: {  	_ =	shalt  }
0x42: {  	_ =	shalt  }
0x43: {  	_ =	shalt  }
0x44: {  	_ =	shalt  }
0x45: {  	_ =	shalt  }
0x46: {  	_ =	shalt  }
0x47: {  	_ =	shalt  }
0x48: {  	_ =	shalt  }
0x49: {  	_ =	shalt  }
0x4a: {  	_ =	shalt  }
0x4b: {  	_ =	shalt  }
0x4c: {  	_ =	shalt  }
0x4d: {  	_ =	shalt  }
0x4e: {  	_ =	shalt  }
0x4f: {  	_ =	shalt  }
0x50: {  	_ =	shalt  }
0x51: {  	_ =	shalt  }
0x52: {  	_ =	shalt  }
0x53: {  	_ =	shalt  }
0x54: {  	_ =	shalt  }
0x55: {  	_ =	shalt  }
0x56: {  	_ =	shalt  }
0x57: {  	_ =	shalt  }
0x58: {  	_ =	shalt  }
0x59: {  	_ =	shalt  }
0x5a: {  	_ =	shalt  }
0x5b: {  	_ =	shalt  }
0x5c: {  	_ =	shalt  }
0x5d: {  	_ =	shalt  }
0x5e: {  	_ =	shalt  }
0x5f: {  	_ =	shalt  }
0x60: {  	_ =	shalt  }
0x61: {  	_ =	shalt  }
0x62: {  	_ =	shalt  }
0x63: {  	_ =	shalt  }
0x64: {  	_ =	shalt  }
0x65: {  	_ =	shalt  }
0x66: {  	_ =	shalt  }
0x67: {  	_ =	shalt  }
0x68: {  	_ =	shalt  }
0x69: {  	_ =	shalt  }
0x6a: {  	_ =	shalt  }
0x6b: {  	_ =	shalt  }
0x6c: {  	_ =	shalt  }
0x6d: {  	_ =	shalt  }
0x6e: {  	_ =	shalt  }
0x6f: {  	_ =	shalt  }
0x70: {  	_ =	shalt  }
0x71: {  	_ =	shalt  }
0x72: {  	_ =	shalt  }
0x73: {  	_ =	shalt  }
0x74: {  	_ =	shalt  }
0x75: {  	_ =	shalt  }
0x76: {  	_ =	shalt  }
0x77: {  	_ =	shalt  }
0x78: {  	_ =	shalt  }
0x79: {  	_ =	shalt  }
0x7a: {  	_ =	shalt  }
0x7b: {  	_ =	shalt  }
0x7c: {  	_ =	shalt  }
0x7d: {  	_ =	shalt  }
0x7e: {  	_ =	shalt  }
0x7f: {  	_ =	shalt  }
0x80: {  	_ =	shalt  }
0x81: {  	_ =	shalt  }
0x82: {  	_ =	shalt  }
0x83: {  	_ =	shalt  }
0x84: {  	_ =	shalt  }
0x85: {  	_ =	shalt  }
0x86: {  	_ =	shalt  }
0x87: {  	_ =	shalt  }
.Lfunc_end0:
.L_simem_size_0:
called_computation_lowered:
.L_overlay_start_0:
0x88: {  	s2 =	sld [smem:$0x3FD9]  }
0x89: {  	s3 =	sld [smem:$0x3FFE];
	_ =	sdelay $0x1  }
0x8a: {  	s1 =	srdreg.scid  }
0x8b: {  	s0 =	sand.u32 $0x1, s1  }
0x8c: {  	s14 =	sshll.u32 s0, $0xA;
	s2 =	sadd.s32 s3, s2  }
0x8d: {  	s2 =	sadd.s32 s2, s14  }
0x8e: {  	[smem:$0x3FBF] =	sst s2  }
0x8f: {  	_ = 	snop  }
0x90: {  	s2 =	sld [smem:$0x3FD0];
	_ =	sdelay $0x2  }
0x91: {  	s4 =	simm.s32 $0xA;
	s5 =	simm.s32 $0x10;
	s15 =	sld [smem:$0x3FC9]  }
0x92: {  	[smem:s5], [sflag:s4] =	dma.local [hbm:s2], $0x1  }
0x93: {  	_ =	swait.eq [sflag:s4], $0x1  }
0x94: {  	[sflag:s4] =	ssyncset.done $0x0  }
0x95: {  	[sflag:s4] =	ssyncadd.s32 $0xFFFFFFFF  }
0x96: {  	s16 =	sld [smem:$0x10];
	(tm) =	ssettm $0x1  }
0x97: {  	s17 =	sld [smem:$0x3FFB];
	_ =	sdelay $0x3  }
0x98: {  	_ =	strace s17  }
0x99: {  	s4 =	sld [smem:$0x3FFC];
	_ =	sdelay $0x3  }
0x9a: {  	_ =	strace s4  }
0x9b: {  	s4 =	sld [smem:$0x3FFD];
	_ =	sdelay $0x3  }
0x9c: {  	_ =	strace s4  }
0x9d: {  	_ =	strace $0x8FFFFFFF  }
0x9e: {  	s18 =	sld [smem:$0x3FDB];
	_ =	sdelay $0x1  }
0x9f: {  	s19 =	simm.s32 $_scs_section_size  }
0xa0: {  	s6 =	simm.s32 $_size__tile_overlayer_lowered;
	s7 =	simm.s32 $_tile_overlayer_lowered  }
0xa1: {  	s22 =	simm.s32 $0x1BFF;
	s21 =	sshll.u32 s7, $0x1;
	s4 =	sadd.s32 s19, s18  }
0xa2: {  	s8 =	simm.s32 $0x0;
	s20 =	sshll.u32 s6, $0x1;
	s6 =	sadd.s32 s21, s4  }
0xa3: {  	[timem:s8], [sflag:s22] =	dma.local [hbm:s6], s20  }
0xa4: {  	_ =	swait.ge [sflag:s22], s20  }
0xa5: {  	s5 =	ssub.s32 $0x0, s20;
	[sflag:s22] =	ssyncset.done $0x0  }
0xa6: {  	[sflag:s22] =	ssyncadd.s32 s5;
	_ =	sdelay $0x1  }
0xa7: {  	s23 =	simm.s32 $0x1B8B  }
0xa8: {  	_ =	swait.ge [sflag:s23], $0x1  }
0xa9: {  	[sflag:s23] =	ssyncset.done $0x0  }
0xaa: {  	s25 =	simm.s32 $0x1B8E;
	s24 =	sld [smem:$0x3FFE];
	[sflag:s23] =	ssyncadd.s32 $0xFFFFFFFF  }
0xab: {  	s26 =	simm.s32 $execute0_lowered;
	[smem:$0x3FD2] =	sst s25  }
0xac: {  	s6 =	sshll.u32 s26, $0x1;
	_ =	strace $0x80000046;
	[dreg:$0x1] =	wrdreg $0xFFFFFFFF  }
0xad: {  	s28 =	simm.s32 $_size_execute0_lowered;
	s4 =	sadd.s32 s4, s6;
	[dreg:$0x0] =	wrdreg $0x0  }
0xae: {  	s6 =	sshll.u32 s28, $0x1;
	[dreg:$0x2] =	wrdreg s4  }
0xaf: {  	[dreg:$0x3] =	wrdreg s6  }
0xb0: {  	[dreg:$0x4] =	wrdreg $0xC0  }
0xb1: {  	_ =	task [dreg:s8], $0x5FFFF  }
0xb2: {  	[dreg:$0x1] =	wrdreg $0xFFFFFFFF  }
0xb3: {  	[dreg:$0x0] =	wrdreg $0x60  }
0xb4: {  	[dreg:$0x2] =	wrdreg s15  }
0xb5: {  	[dreg:$0x3] =	wrdreg s16  }
0xb6: {  	[dreg:$0x4] =	wrdreg s24  }
0xb7: {  	[dreg:$0x5] =	wrdreg $0x9  }
0xb8: {  	_ =	task.clear_ibuf [dreg:s8], $0x6FFFF;
	_ =	strace $0x90000046  }
0xb9: {  	s29 =	simm.s32 $0x9;
	_ =	strace $0x80000048  }
0xba: {  	_ =	swait.ge [sflag:s29], $0x1  }
0xbb: {  	[sflag:s29] =	ssyncadd.s32 $0xFFFFFFFF  }
0xbc: {  	_ =	strace $0x90000048  }
0xbd: {  	_ =	sfence  }
0xbe: {  	s30 =	sld [smem:$0x0];
	_ =	sdelay $0x2  }
0xbf: {  	s31 =	sshll.u32 s1, $0xD;
	s1 =	sshrl.u32 s1, $0x2  }
0xc0: {  	s3 =	sand.u32 $0x4000, s31;
	s1 =	sadd.s32 s1, s30  }
0xc1: {  	s0 =	sor.u32 s3, s0;
	s1 =	sshll.u32 s1, $0x11  }
0xc2: {  	s0 =	sor.u32 s1, s0  }
0xc3: {  	s0 =	sadd.s32 $0x8F2B, s0  }
0xc4: {  	[sflag:s0] =	ssyncadd.remote.s32 $0x1  }
0xc5: {  	_ =	sfence.sel $0xFFFF  }
0xc6: {  	[dreg:$0x0] =	wrdreg $0xFFFFFFFF;
	(pc) =	sbr.abs _section_cstart, $3  }
0xc7: {  	[dreg:$0x1] =	wrdreg $0xFFFFFFFF  }
0xc8: {  	_ =	task.clear_ibuf [dreg:s8], $0x2FFFF;
	_ =	strace $0x9FFFFFFF  }
0xc9: {  	(tm) =	ssettm $0x7FFFFFFF  }
tec
execute0_lowered:
.L_overlay_start_1:
0x0: {  	(tag) =	ssettag $0x1  }
0x1: {  	s0 =	rddreg [dreg:$0x0]  }
0x2: {  	s1 =	srdreg.scid;
	s4 =	rddreg [dreg:$0x1]  }
0x3: {  	s2 =	stileid.u32;
	s6 =	rddreg [dreg:$0x2];
	s26 =	simm.s32 $0x80  }
0x4: {  	s11 =	simm.s32 $0x1;
	s28 =	simm.s32 $0x3100;
	s29 =	simm.s32 $0x3900  }
0x5: {  	s30 =	simm.s32 $0x4100;
	s31 =	simm.s32 $0x4900;
	s12 =	simm.s32 $0x6100  }
0x6: {  	s13 =	simm.s32 $0x6900;
	s14 =	simm.s32 $0x7100;
	s15 =	simm.s32 $0x7900  }
0x7: {  	s16 =	simm.s32 $0x8100;
	s17 =	simm.s32 $0x8900;
	s18 =	simm.s32 $0x9100  }
0x8: {  	s19 =	simm.s32 $0x9900;
	s20 =	simm.s32 $0xA100;
	s21 =	simm.s32 $0xA900  }
0x9: {  	s1 =	sand.u32 $0x1, s1;
	s3 =	sshll.u32 s2, $0x7;
	s2 =	simm.s32 $0x0  }
0xa: {  	s10 =	simm.s32 $0xB900;
	s5 =	sshll.u32 s1, $0x6;
	[smem:$0x7FF] =	sst s2  }
0xb: {  	s1 =	ssub.s32 $0x2, s1;
	s7 =	sor.u32 s5, s3;
	_ =	strace $0x80000047  }
0xc: {  	s3 =	sadd.s32 $0x3400, s6;
	s24 =	sshrl.u32 s1, $0x1;
	[dreg:$0x7] =	wrdreg s26  }
0xd: {  	s26 =	simm.s32 $0x2900;
	s8 =	sshll.u32 s7, $0x1;
	s25 =	sshll.u32 s7, $0x7  }
0xe: {  	s1 =	ssub.s32 s1, s24;
	s9 =	sand.u32 $0xF00, s8;
	s0 =	sadd.s32 s0, s25  }
0xf: {  	s7 =	smax.u32 s1, $0x1;
	s9 =	sor.u32 s5, s9;
	s5 =	sor.u32 s5, s8  }
0x10: {  	s25 =	simm.s32 $0x2100;
	s23 =	sshrl.u32 s9, $0x3;
	s5 =	sshrl.u32 s5, $0x3  }
0x11: {  	v2 =	vlaneseq.u32;
	[dreg:$0x6] =	wrdreg s0;
	s8 =	sadd.s32 s4, s23;
	s5 =	sor.u32 $0x10, s5  }
0x12: {  	vm0 =	vmmov $0xffff;
	v1 =	vshrl.u32 v2, $0x3;
	[dreg:$0x4] =	wrdreg s8;
	s4 =	sadd.s32 s4, s5;
	s5 =	sadd.s32 $0x3600, s6  }
0x13: {  	v0 =	vand.u32 $0x7, v2;
	v2 =	vor.u32 $0x8, v2;
	v1 =	vmul.u32 $0x8, v1;
	[dreg:$0x5] =	wrdreg s4;
	s4 =	sadd.s32 $0x3500, s6;
	s6 =	sadd.s32 $0x3700, s6  }
.LBB2_1:
0x14: {  	s22 =	rddreg [dreg:$0x4]  }
0x15: {  	s23 =	rddreg [dreg:$0x5]  }
0x16: {  	[tilespmem:s2], [sflag:$0x1] =	stream.linear.gather [hbm4b:s22+s2], $0x40, $0x38;
	[tilespmem:$0x10100] =	vst v63  }
0x17: {  	s24 =	rddreg [dreg:$0x7]  }
0x18: {  	[tilespmem:s24], [sflag:$0x2] =	stream.linear.gather [hbm4b:s23+s2], $0x40, $0x38;
	[tilespmem:$0x10100] =	vst v63  }
0x19: {  	s8 =	rddreg [dreg:$0x6];
	s9 =	simm.s32 $0x100;
	s0 =	simm.s32 $0x3  }
0x1a: {  	[tilespmem:s9], [sflag:$0x3] =	stream.linear.gather [hbm4b:s8+s2], $0x10000, $0x38;
	[tilespmem:$0x10100] =	vst v63  }
0x1b: {  	_ =	swait.ge [sflag:s0], $0x10000  }
0x1c: {  	[sflag:s0] =	ssyncset.done $0x0  }
0x1d: {  	[sflag:s0] =	ssyncadd.s32 $0xFFFF0000  }
0x1e: {  	_ =	swait.ge [sflag:s11], $0x40  }
0x1f: {  	[sflag:s11] =	ssyncset.done $0x0  }
0x20: {  	s0 =	simm.s32 $0x2;
	[sflag:s11] =	ssyncadd.s32 $0xFFFFFFC0  }
0x21: {  	_ =	swait.ge [sflag:s0], $0x40  }
0x22: {  	[sflag:s0] =	ssyncset.done $0x0  }
0x23: {  	[sflag:s0] =	ssyncadd.s32 $0xFFFFFFC0  }
0x24: {  	v3 =	vld [tilespmem:$0x0];
	_ =	sdelay $0x4  }
0x25: {  	v4 =	vshll.u32 v3, $0x3  }
0x26: {  	v3 =	vand.u32 $0x7, v3;
	v4 =	vand.u32 $0xFFFFFFC0, v4  }
0x27: {  	v3 =	vor.u32 v3, v4  }
0x28: {  	v4 =	vperm.xlane v3, v0;
	_ =	sdelay $0x1  }
0x29: {  	v4 =	vadd.s32 v1, v4;
	_ =	sdelay $0x4  }
0x2a: {  	[hbm4b:s3+s2] =	stream.indirect_vreg.scatter [tilespmem:s9], [sflag:$0x1], $0x80, v4, vm0, $0xb8;
	[tilespmem:$0x10100] =	vst v63  }
0x2b: {  	s22 =	simm.s32 $0x900;
	v3 =	vperm.xlane v3, v2  }
0x2c: {  	[hbm4b:s4+s2] =	stream.indirect_vreg.scatter [tilespmem:s22], [sflag:$0x1], $0x80, v4, vm0, $0xb8;
	[tilespmem:$0x10100] =	vst v63  }
0x2d: {  	s23 =	simm.s32 $0x1100;
	v3 =	vadd.s32 v1, v3  }
0x2e: {  	[hbm4b:s5+s2] =	stream.indirect_vreg.scatter [tilespmem:s23], [sflag:$0x1], $0x80, v4, vm0, $0xb8;
	[tilespmem:$0x10100] =	vst v63  }
0x2f: {  	s24 =	simm.s32 $0x1900  }
0x30: {  	[hbm4b:s6+s2] =	stream.indirect_vreg.scatter [tilespmem:s24], [sflag:$0x1], $0x80, v4, vm0, $0xb8;
	[tilespmem:$0x10100] =	vst v63  }
0x31: {  	_ = 	snop  }
0x32: {  	[hbm4b:s3+s2] =	stream.indirect_vreg.scatter [tilespmem:s25], [sflag:$0x1], $0x80, v3, vm0, $0xb8;
	[tilespmem:$0x10100] =	vst v63  }
0x33: {  	_ = 	snop  }
0x34: {  	[hbm4b:s4+s2] =	stream.indirect_vreg.scatter [tilespmem:s26], [sflag:$0x1], $0x80, v3, vm0, $0xb8;
	[tilespmem:$0x10100] =	vst v63  }
0x35: {  	_ = 	snop  }
0x36: {  	[hbm4b:s5+s2] =	stream.indirect_vreg.scatter [tilespmem:s28], [sflag:$0x1], $0x80, v3, vm0, $0xb8;
	[tilespmem:$0x10100] =	vst v63  }
0x37: {  	_ = 	snop  }
0x38: {  	[hbm4b:s6+s2] =	stream.indirect_vreg.scatter [tilespmem:s29], [sflag:$0x1], $0x80, v3, vm0, $0xb8;
	[tilespmem:$0x10100] =	vst v63  }
0x39: {  	v3 =	vld [tilespmem:$0x10];
	_ =	sdelay $0x4  }
0x3a: {  	v57 =	vshll.u32 v3, $0x3  }
0x3b: {  	v3 =	vand.u32 $0x7, v3;
	v4 =	vand.u32 $0xFFFFFFC0, v57  }
0x3c: {  	v3 =	vor.u32 v3, v4  }
0x3d: {  	v4 =	vperm.xlane v3, v0;
	_ =	sdelay $0x1  }
0x3e: {  	v4 =	vadd.s32 v1, v4;
	_ =	sdelay $0x4  }
0x3f: {  	[hbm4b:s3+s2] =	stream.indirect_vreg.scatter [tilespmem:s30], [sflag:$0x1], $0x80, v4, vm0, $0xb8;
	[tilespmem:$0x10100] =	vst v63  }
0x40: {  	v3 =	vperm.xlane v3, v2  }
0x41: {  	[hbm4b:s4+s2] =	stream.indirect_vreg.scatter [tilespmem:s31], [sflag:$0x1], $0x80, v4, vm0, $0xb8;
	[tilespmem:$0x10100] =	vst v63  }
0x42: {  	s1 =	simm.s32 $0x5100;
	v3 =	vadd.s32 v1, v3  }
0x43: {  	[hbm4b:s5+s2] =	stream.indirect_vreg.scatter [tilespmem:s1], [sflag:$0x1], $0x80, v4, vm0, $0xb8;
	[tilespmem:$0x10100] =	vst v63  }
0x44: {  	s8 =	simm.s32 $0x5900  }
0x45: {  	[hbm4b:s6+s2] =	stream.indirect_vreg.scatter [tilespmem:s8], [sflag:$0x1], $0x80, v4, vm0, $0xb8;
	[tilespmem:$0x10100] =	vst v63  }
0x46: {  	_ = 	snop  }
0x47: {  	[hbm4b:s3+s2] =	stream.indirect_vreg.scatter [tilespmem:s12], [sflag:$0x1], $0x80, v3, vm0, $0xb8;
	[tilespmem:$0x10100] =	vst v63  }
0x48: {  	_ = 	snop  }
0x49: {  	[hbm4b:s4+s2] =	stream.indirect_vreg.scatter [tilespmem:s13], [sflag:$0x1], $0x80, v3, vm0, $0xb8;
	[tilespmem:$0x10100] =	vst v63  }
0x4a: {  	_ = 	snop  }
0x4b: {  	[hbm4b:s5+s2] =	stream.indirect_vreg.scatter [tilespmem:s14], [sflag:$0x1], $0x80, v3, vm0, $0xb8;
	[tilespmem:$0x10100] =	vst v63  }
0x4c: {  	_ = 	snop  }
0x4d: {  	[hbm4b:s6+s2] =	stream.indirect_vreg.scatter [tilespmem:s15], [sflag:$0x1], $0x80, v3, vm0, $0xb8;
	[tilespmem:$0x10100] =	vst v63  }
0x4e: {  	v3 =	vld [tilespmem:$0x20];
	_ =	sdelay $0x4  }
0x4f: {  	v58 =	vshll.u32 v3, $0x3  }
0x50: {  	v3 =	vand.u32 $0x7, v3;
	v4 =	vand.u32 $0xFFFFFFC0, v58  }
0x51: {  	v3 =	vor.u32 v3, v4  }
0x52: {  	v4 =	vperm.xlane v3, v0;
	_ =	sdelay $0x1  }
0x53: {  	v4 =	vadd.s32 v1, v4;
	_ =	sdelay $0x4  }
0x54: {  	[hbm4b:s3+s2] =	stream.indirect_vreg.scatter [tilespmem:s16], [sflag:$0x1], $0x80, v4, vm0, $0xb8;
	[tilespmem:$0x10100] =	vst v63  }
0x55: {  	v3 =	vperm.xlane v3, v2  }
0x56: {  	[hbm4b:s4+s2] =	stream.indirect_vreg.scatter [tilespmem:s17], [sflag:$0x1], $0x80, v4, vm0, $0xb8;
	[tilespmem:$0x10100] =	vst v63  }
0x57: {  	v3 =	vadd.s32 v1, v3  }
0x58: {  	[hbm4b:s5+s2] =	stream.indirect_vreg.scatter [tilespmem:s18], [sflag:$0x1], $0x80, v4, vm0, $0xb8;
	[tilespmem:$0x10100] =	vst v63  }
0x59: {  	_ = 	snop  }
0x5a: {  	[hbm4b:s6+s2] =	stream.indirect_vreg.scatter [tilespmem:s19], [sflag:$0x1], $0x80, v4, vm0, $0xb8;
	[tilespmem:$0x10100] =	vst v63  }
0x5b: {  	_ = 	snop  }
0x5c: {  	[hbm4b:s3+s2] =	stream.indirect_vreg.scatter [tilespmem:s20], [sflag:$0x1], $0x80, v3, vm0, $0xb8;
	[tilespmem:$0x10100] =	vst v63  }
0x5d: {  	_ = 	snop  }
0x5e: {  	[hbm4b:s4+s2] =	stream.indirect_vreg.scatter [tilespmem:s21], [sflag:$0x1], $0x80, v3, vm0, $0xb8;
	[tilespmem:$0x10100] =	vst v63  }
0x5f: {  	s8 =	simm.s32 $0xB100  }
0x60: {  	[hbm4b:s5+s2] =	stream.indirect_vreg.scatter [tilespmem:s8], [sflag:$0x1], $0x80, v3, vm0, $0xb8;
	[tilespmem:$0x10100] =	vst v63  }
0x61: {  	_ = 	snop  }
0x62: {  	[hbm4b:s6+s2] =	stream.indirect_vreg.scatter [tilespmem:s10], [sflag:$0x1], $0x80, v3, vm0, $0xb8;
	[tilespmem:$0x10100] =	vst v63  }
0x63: {  	v3 =	vld [tilespmem:$0x30];
	_ =	sdelay $0x4  }
0x64: {  	v59 =	vshll.u32 v3, $0x3  }
0x65: {  	v3 =	vand.u32 $0x7, v3;
	v4 =	vand.u32 $0xFFFFFFC0, v59  }
0x66: {  	v3 =	vor.u32 v3, v4  }
0x67: {  	v4 =	vperm.xlane v3, v0;
	_ =	sdelay $0x1  }
0x68: {  	v4 =	vadd.s32 v1, v4;
	_ =	sdelay $0x3  }
0x69: {  	s1 =	simm.s32 $0xC100  }
0x6a: {  	[hbm4b:s3+s2] =	stream.indirect_vreg.scatter [tilespmem:s1], [sflag:$0x1], $0x80, v4, vm0, $0xb8;
	[tilespmem:$0x10100] =	vst v63  }
0x6b: {  	v3 =	vperm.xlane v3, v2;
	s1 =	simm.s32 $0xC900  }
0x6c: {  	[hbm4b:s4+s2] =	stream.indirect_vreg.scatter [tilespmem:s1], [sflag:$0x1], $0x80, v4, vm0, $0xb8;
	[tilespmem:$0x10100] =	vst v63  }
0x6d: {  	v3 =	vadd.s32 v1, v3;
	s1 =	simm.s32 $0xD100  }
0x6e: {  	[hbm4b:s5+s2] =	stream.indirect_vreg.scatter [tilespmem:s1], [sflag:$0x1], $0x80, v4, vm0, $0xb8;
	[tilespmem:$0x10100] =	vst v63  }
0x6f: {  	s1 =	simm.s32 $0xD900  }
0x70: {  	[hbm4b:s6+s2] =	stream.indirect_vreg.scatter [tilespmem:s1], [sflag:$0x1], $0x80, v4, vm0, $0xb8;
	[tilespmem:$0x10100] =	vst v63  }
0x71: {  	s1 =	simm.s32 $0xE100  }
0x72: {  	[hbm4b:s3+s2] =	stream.indirect_vreg.scatter [tilespmem:s1], [sflag:$0x1], $0x80, v3, vm0, $0xb8;
	[tilespmem:$0x10100] =	vst v63  }
0x73: {  	s1 =	simm.s32 $0xE900  }
0x74: {  	[hbm4b:s4+s2] =	stream.indirect_vreg.scatter [tilespmem:s1], [sflag:$0x1], $0x80, v3, vm0, $0xb8;
	[tilespmem:$0x10100] =	vst v63  }
0x75: {  	s1 =	simm.s32 $0xF100  }
0x76: {  	[hbm4b:s5+s2] =	stream.indirect_vreg.scatter [tilespmem:s1], [sflag:$0x1], $0x80, v3, vm0, $0xb8;
	[tilespmem:$0x10100] =	vst v63  }
0x77: {  	s1 =	simm.s32 $0xF900  }
0x78: {  	[hbm4b:s6+s2] =	stream.indirect_vreg.scatter [tilespmem:s1], [sflag:$0x1], $0x80, v3, vm0, $0xb8;
	[tilespmem:$0x10100] =	vst v63  }
0x79: {  	v3 =	vld [tilespmem:$0x80];
	_ =	sdelay $0x4  }
0x7a: {  	v60 =	vshll.u32 v3, $0x3  }
0x7b: {  	v3 =	vand.u32 $0x7, v3;
	v4 =	vand.u32 $0xFFFFFFC0, v60  }
0x7c: {  	v3 =	vor.u32 v3, v4  }
0x7d: {  	v4 =	vperm.xlane v3, v0;
	_ =	sdelay $0x1  }
0x7e: {  	v4 =	vadd.s32 v1, v4;
	_ =	sdelay $0x4  }
0x7f: {  	[hbm4b:s3+s2] =	stream.indirect_vreg.scatter [tilespmem:s9], [sflag:$0x2], $0x80, v4, vm0, $0xb8;
	[tilespmem:$0x10100] =	vst v63  }
0x80: {  	v3 =	vperm.xlane v3, v2  }
0x81: {  	[hbm4b:s4+s2] =	stream.indirect_vreg.scatter [tilespmem:s22], [sflag:$0x2], $0x80, v4, vm0, $0xb8;
	[tilespmem:$0x10100] =	vst v63  }
0x82: {  	v3 =	vadd.s32 v1, v3  }
0x83: {  	[hbm4b:s5+s2] =	stream.indirect_vreg.scatter [tilespmem:s23], [sflag:$0x2], $0x80, v4, vm0, $0xb8;
	[tilespmem:$0x10100] =	vst v63  }
0x84: {  	_ = 	snop  }
0x85: {  	[hbm4b:s6+s2] =	stream.indirect_vreg.scatter [tilespmem:s24], [sflag:$0x2], $0x80, v4, vm0, $0xb8;
	[tilespmem:$0x10100] =	vst v63  }
0x86: {  	_ = 	snop  }
0x87: {  	[hbm4b:s3+s2] =	stream.indirect_vreg.scatter [tilespmem:s25], [sflag:$0x2], $0x80, v3, vm0, $0xb8;
	[tilespmem:$0x10100] =	vst v63  }
0x88: {  	_ = 	snop  }
0x89: {  	[hbm4b:s4+s2] =	stream.indirect_vreg.scatter [tilespmem:s26], [sflag:$0x2], $0x80, v3, vm0, $0xb8;
	[tilespmem:$0x10100] =	vst v63  }
0x8a: {  	_ = 	snop  }
0x8b: {  	[hbm4b:s5+s2] =	stream.indirect_vreg.scatter [tilespmem:s28], [sflag:$0x2], $0x80, v3, vm0, $0xb8;
	[tilespmem:$0x10100] =	vst v63  }
0x8c: {  	_ = 	snop  }
0x8d: {  	[hbm4b:s6+s2] =	stream.indirect_vreg.scatter [tilespmem:s29], [sflag:$0x2], $0x80, v3, vm0, $0xb8;
	[tilespmem:$0x10100] =	vst v63  }
0x8e: {  	v3 =	vld [tilespmem:$0x90];
	_ =	sdelay $0x4  }
0x8f: {  	v61 =	vshll.u32 v3, $0x3  }
0x90: {  	v3 =	vand.u32 $0x7, v3;
	v4 =	vand.u32 $0xFFFFFFC0, v61  }
0x91: {  	v3 =	vor.u32 v3, v4  }
0x92: {  	v4 =	vperm.xlane v3, v0;
	_ =	sdelay $0x1  }
0x93: {  	v4 =	vadd.s32 v1, v4;
	_ =	sdelay $0x4  }
0x94: {  	[hbm4b:s3+s2] =	stream.indirect_vreg.scatter [tilespmem:s30], [sflag:$0x2], $0x80, v4, vm0, $0xb8;
	[tilespmem:$0x10100] =	vst v63  }
0x95: {  	v3 =	vperm.xlane v3, v2  }
0x96: {  	[hbm4b:s4+s2] =	stream.indirect_vreg.scatter [tilespmem:s31], [sflag:$0x2], $0x80, v4, vm0, $0xb8;
	[tilespmem:$0x10100] =	vst v63  }
0x97: {  	s23 =	simm.s32 $0x5100;
	v3 =	vadd.s32 v1, v3  }
0x98: {  	[hbm4b:s5+s2] =	stream.indirect_vreg.scatter [tilespmem:s23], [sflag:$0x2], $0x80, v4, vm0, $0xb8;
	[tilespmem:$0x10100] =	vst v63  }
0x99: {  	s24 =	simm.s32 $0x5900  }
0x9a: {  	[hbm4b:s6+s2] =	stream.indirect_vreg.scatter [tilespmem:s24], [sflag:$0x2], $0x80, v4, vm0, $0xb8;
	[tilespmem:$0x10100] =	vst v63  }
0x9b: {  	_ = 	snop  }
0x9c: {  	[hbm4b:s3+s2] =	stream.indirect_vreg.scatter [tilespmem:s12], [sflag:$0x2], $0x80, v3, vm0, $0xb8;
	[tilespmem:$0x10100] =	vst v63  }
0x9d: {  	_ = 	snop  }
0x9e: {  	[hbm4b:s4+s2] =	stream.indirect_vreg.scatter [tilespmem:s13], [sflag:$0x2], $0x80, v3, vm0, $0xb8;
	[tilespmem:$0x10100] =	vst v63  }
0x9f: {  	_ = 	snop  }
0xa0: {  	[hbm4b:s5+s2] =	stream.indirect_vreg.scatter [tilespmem:s14], [sflag:$0x2], $0x80, v3, vm0, $0xb8;
	[tilespmem:$0x10100] =	vst v63  }
0xa1: {  	_ = 	snop  }
0xa2: {  	[hbm4b:s6+s2] =	stream.indirect_vreg.scatter [tilespmem:s15], [sflag:$0x2], $0x80, v3, vm0, $0xb8;
	[tilespmem:$0x10100] =	vst v63  }
0xa3: {  	v3 =	vld [tilespmem:$0xA0];
	_ =	sdelay $0x4  }
0xa4: {  	v62 =	vshll.u32 v3, $0x3  }
0xa5: {  	v3 =	vand.u32 $0x7, v3;
	v4 =	vand.u32 $0xFFFFFFC0, v62  }
0xa6: {  	v3 =	vor.u32 v3, v4  }
0xa7: {  	v4 =	vperm.xlane v3, v0;
	_ =	sdelay $0x1  }
0xa8: {  	v4 =	vadd.s32 v1, v4;
	_ =	sdelay $0x4  }
0xa9: {  	[hbm4b:s3+s2] =	stream.indirect_vreg.scatter [tilespmem:s16], [sflag:$0x2], $0x80, v4, vm0, $0xb8;
	[tilespmem:$0x10100] =	vst v63  }
0xaa: {  	v3 =	vperm.xlane v3, v2  }
0xab: {  	[hbm4b:s4+s2] =	stream.indirect_vreg.scatter [tilespmem:s17], [sflag:$0x2], $0x80, v4, vm0, $0xb8;
	[tilespmem:$0x10100] =	vst v63  }
0xac: {  	v3 =	vadd.s32 v1, v3  }
0xad: {  	[hbm4b:s5+s2] =	stream.indirect_vreg.scatter [tilespmem:s18], [sflag:$0x2], $0x80, v4, vm0, $0xb8;
	[tilespmem:$0x10100] =	vst v63  }
0xae: {  	_ = 	snop  }
0xaf: {  	[hbm4b:s6+s2] =	stream.indirect_vreg.scatter [tilespmem:s19], [sflag:$0x2], $0x80, v4, vm0, $0xb8;
	[tilespmem:$0x10100] =	vst v63  }
0xb0: {  	_ = 	snop  }
0xb1: {  	[hbm4b:s3+s2] =	stream.indirect_vreg.scatter [tilespmem:s20], [sflag:$0x2], $0x80, v3, vm0, $0xb8;
	[tilespmem:$0x10100] =	vst v63  }
0xb2: {  	_ = 	snop  }
0xb3: {  	[hbm4b:s4+s2] =	stream.indirect_vreg.scatter [tilespmem:s21], [sflag:$0x2], $0x80, v3, vm0, $0xb8;
	[tilespmem:$0x10100] =	vst v63  }
0xb4: {  	_ = 	snop  }
0xb5: {  	[hbm4b:s5+s2] =	stream.indirect_vreg.scatter [tilespmem:s8], [sflag:$0x2], $0x80, v3, vm0, $0xb8;
	[tilespmem:$0x10100] =	vst v63  }
0xb6: {  	_ = 	snop  }
0xb7: {  	[hbm4b:s6+s2] =	stream.indirect_vreg.scatter [tilespmem:s10], [sflag:$0x2], $0x80, v3, vm0, $0xb8;
	[tilespmem:$0x10100] =	vst v63  }
0xb8: {  	v3 =	vld [tilespmem:$0xB0];
	_ =	sdelay $0x4  }
0xb9: {  	v63 =	vshll.u32 v3, $0x3  }
0xba: {  	v3 =	vand.u32 $0x7, v3;
	v4 =	vand.u32 $0xFFFFFFC0, v63  }
0xbb: {  	v3 =	vor.u32 v3, v4  }
0xbc: {  	v4 =	vperm.xlane v3, v0;
	_ =	sdelay $0x1  }
0xbd: {  	v4 =	vadd.s32 v1, v4;
	_ =	sdelay $0x3  }
0xbe: {  	s22 =	simm.s32 $0xC100  }
0xbf: {  	[hbm4b:s3+s2] =	stream.indirect_vreg.scatter [tilespmem:s22], [sflag:$0x2], $0x80, v4, vm0, $0xb8;
	[tilespmem:$0x10100] =	vst v63  }
0xc0: {  	s23 =	simm.s32 $0xC900;
	v3 =	vperm.xlane v3, v2  }
0xc1: {  	[hbm4b:s4+s2] =	stream.indirect_vreg.scatter [tilespmem:s23], [sflag:$0x2], $0x80, v4, vm0, $0xb8;
	[tilespmem:$0x10100] =	vst v63  }
0xc2: {  	s24 =	simm.s32 $0xD100;
	v3 =	vadd.s32 v1, v3  }
0xc3: {  	[hbm4b:s5+s2] =	stream.indirect_vreg.scatter [tilespmem:s24], [sflag:$0x2], $0x80, v4, vm0, $0xb8;
	[tilespmem:$0x10100] =	vst v63  }
0xc4: {  	s9 =	simm.s32 $0xD900  }
0xc5: {  	[hbm4b:s6+s2] =	stream.indirect_vreg.scatter [tilespmem:s9], [sflag:$0x2], $0x80, v4, vm0, $0xb8;
	[tilespmem:$0x10100] =	vst v63  }
0xc6: {  	s22 =	simm.s32 $0xE100  }
0xc7: {  	[hbm4b:s3+s2] =	stream.indirect_vreg.scatter [tilespmem:s22], [sflag:$0x2], $0x80, v3, vm0, $0xb8;
	[tilespmem:$0x10100] =	vst v63  }
0xc8: {  	s23 =	simm.s32 $0xE900  }
0xc9: {  	[hbm4b:s4+s2] =	stream.indirect_vreg.scatter [tilespmem:s23], [sflag:$0x2], $0x80, v3, vm0, $0xb8;
	[tilespmem:$0x10100] =	vst v63  }
0xca: {  	s24 =	simm.s32 $0xF100  }
0xcb: {  	[hbm4b:s5+s2] =	stream.indirect_vreg.scatter [tilespmem:s24], [sflag:$0x2], $0x80, v3, vm0, $0xb8;
	[tilespmem:$0x10100] =	vst v63  }
0xcc: {  	_ = 	snop  }
0xcd: {  	[hbm4b:s6+s2] =	stream.indirect_vreg.scatter [tilespmem:s1], [sflag:$0x2], $0x80, v3, vm0, $0xb8;
	[tilespmem:$0x10100] =	vst v63  }
0xce: {  	p0 =	sne.s32 s7, $0x1;
	_ =	swait.ge [sflag:s11], $0x10000  }
.Ltmp0:
0xcf: {  	[sflag:s11] =	ssyncset.done $0x0;
	(pc) =	sbr.rel @p0 .LBB2_1-.Ltmp0, $4  }
0xd0: {  	[sflag:s11] =	ssyncadd.s32 $0xFFFF0000  }
0xd1: {  	_ =	swait.ge [sflag:s0], $0x10000  }
0xd2: {  	[sflag:s0] =	ssyncset.done $0x0  }
0xd3: {  	s7 =	sadd.s32 $0xFFFFFFFF, s7;
	[sflag:s0] =	ssyncadd.s32 $0xFFFF0000  }
0xd4: {  	_ =	sfence.sel $0x180000  }
0xd5: {  	[bflag:$0x0] =	sbarrier.arrive $0xFFFF  }
0xd6: {  	_ =	strace $0x90000047  }
0xd7: {  	s0 =	stileid.u32;
	[bflag:$0x2] =	sbarrier.arrive $0xFFFF  }
0xd8: {  	p0 =	sne.s32 s0, $0x0;
	s0 =	rddreg [dreg:$0x3]  }
0xd9: {  	s0 =	sadd.s32 @!p0 $0x100000, s0  }
0xda: {  	[sflag:s0] =	ssyncadd.tile.s32 @!p0 $0x1;
	_ =	shalt  }
.Lfunc_end2:
_tile_overlayer_lowered:
.L_overlay_start_2:
0xdb: {  	(tag) =	ssettag $0x2  }
0xdc: {  	s0 =	rddreg [dreg:$0x0];
	s2 =	stileid.u32  }
0xdd: {  	s1 =	rddreg [dreg:$0x1];
	p0 =	sne.s32 s2, $0x0  }
0xde: {  	s3 =	rddreg [dreg:$0x2];
	[bflag:$0x3] =	sbarrier.arrive $0xFFFF;
	s2 =	simm.s32 @!p0 $0x1C03  }
0xdf: {  	[timem:s3], [sflag:s2] =	dma.local @!p0 [hbm:s0], s1  }
0xe0: {  	s0 =	simm.s32 @!p0 $0x3  }
0xe1: {  	_ =	swait.ge @!p0 [sflag:s0], s1  }
0xe2: {  	s1 =	ssub.s32 @!p0 $0x0, s1;
	[sflag:s0] =	ssyncset.done @!p0 $0x0  }
0xe3: {  	[sflag:s0] =	ssyncadd.s32 @!p0 s1  }
0xe4: {  	[bflag:$0x3] =	sbarrier.arrive $0xFFFF  }
0xe5: {  	_ =	shalt  }

</sc_bundles>
